<compile_context>
chip_gen: v7x
topology: tpu7x:2x2x1
jax: 0.10.2.dev20260603
libtpu: 0.0.44.dev20260713+nightly
codegen_flags: <defaults>
</compile_context>

<pallas_src>
import functools

import jax
import jax.numpy as jnp
from jax import lax
from jax.experimental import pallas as pl
from jax.experimental.pallas import tpu as pltpu
from jax.experimental.pallas import tpu_sc as plsc

N_NODES = 50000
D = 64
HALF = D // 2
NSUB = 16
CHUNK = 128
ZROWS = 200
ACC_ROWS = 51200
DUMP = ACC_ROWS // NSUB
ZCHUNKS = 16


def _sc_aggregate(n_chunks):
    mesh = plsc.VectorSubcoreMesh(core_axis_name="c", subcore_axis_name="s")

    @functools.partial(
        pl.kernel,
        mesh=mesh,
        out_type=jax.ShapeDtypeStruct((2, ACC_ROWS, HALF), jnp.float32),
        scratch_types=[
            pltpu.VMEM((CHUNK,), jnp.int32),
            pltpu.VMEM((CHUNK,), jnp.int32),
            pltpu.VMEM((CHUNK, HALF), jnp.float32),
            pltpu.VMEM((ZROWS, HALF), jnp.float32),
            pltpu.VMEM_SHARED((ACC_ROWS, HALF), jnp.float32),
            pltpu.SemaphoreType.DMA,
        ],
        compiler_params=pltpu.CompilerParams(use_tc_tiling_on_sc=False),
    )
    def agg_kernel(h_lo, h_hi, src_hbm, dst_hbm, out, src_v, dst_v, rows_v,
                   zbuf, acc, sem):
        c = lax.axis_index("c")
        s = lax.axis_index("s")
        zero16 = jnp.zeros((16,), jnp.float32)

        def zrow(i, carry):
            zbuf[i, pl.ds(0, 16)] = zero16
            zbuf[i, pl.ds(16, 16)] = zero16
            return carry

        lax.fori_loop(0, ZROWS, zrow, 0)

        def zcopy(k, carry):
            pltpu.sync_copy(zbuf, acc.at[pl.ds(s * (ZCHUNKS * ZROWS) + k * ZROWS,
                                               ZROWS)])
            return carry

        lax.fori_loop(0, ZCHUNKS, zcopy, 0)
        plsc.subcore_barrier()

        def step(j, carry):
            pltpu.sync_copy(src_hbm.at[s, j], src_v)
            pltpu.sync_copy(dst_hbm.at[s, j], dst_v)

            @pl.when(c == 0)
            def _():
                pltpu.async_copy(h_lo.at[src_v], rows_v, sem).wait()

            @pl.when(c == 1)
            def _():
                pltpu.async_copy(h_hi.at[src_v], rows_v, sem).wait()

            pltpu.sync_copy(rows_v, acc.at[dst_v], add=True)
            return carry

        lax.fori_loop(0, n_chunks, step, 0)
        plsc.subcore_barrier()

        pltpu.sync_copy(acc.at[pl.ds(s * DUMP, DUMP)],
                        out.at[c, pl.ds(s * DUMP, DUMP)])

    return agg_kernel


def _mlp_body(agg_ref, hlo_ref, hhi_ref, w1_ref, b1_ref, w2_ref, b2_ref,
              olo_ref, ohi_ref, ofull_ref):
    rst_lo = agg_ref[0] + hlo_ref[...]
    rst_hi = agg_ref[1] + hhi_ref[...]
    rst = jnp.concatenate([rst_lo, rst_hi], axis=1)
    t = jnp.tanh(jnp.dot(rst, w1_ref[...], preferred_element_type=jnp.float32)
                 + b1_ref[...])
    o = jnp.dot(t, w2_ref[...], preferred_element_type=jnp.float32) + b2_ref[...]
    ofull_ref[...] = o
    olo_ref[...] = o[:, :HALF]
    ohi_ref[...] = o[:, HALF:]


def _mlp(bm):
    grid = (N_NODES // bm,)
    return pl.pallas_call(
        _mlp_body,
        grid=grid,
        in_specs=[
            pl.BlockSpec((2, bm, HALF), lambda i: (0, i, 0)),
            pl.BlockSpec((bm, HALF), lambda i: (i, 0)),
            pl.BlockSpec((bm, HALF), lambda i: (i, 0)),
            pl.BlockSpec((D, D), lambda i: (0, 0)),
            pl.BlockSpec((1, D), lambda i: (0, 0)),
            pl.BlockSpec((D, D), lambda i: (0, 0)),
            pl.BlockSpec((1, D), lambda i: (0, 0)),
        ],
        out_specs=[
            pl.BlockSpec((bm, HALF), lambda i: (i, 0)),
            pl.BlockSpec((bm, HALF), lambda i: (i, 0)),
            pl.BlockSpec((bm, D), lambda i: (i, 0)),
        ],
        out_shape=[
            jax.ShapeDtypeStruct((N_NODES, HALF), jnp.float32),
            jax.ShapeDtypeStruct((N_NODES, HALF), jnp.float32),
            jax.ShapeDtypeStruct((N_NODES, D), jnp.float32),
        ],
    )


def kernel(x, edge_index, W1, b1, W2, b2):
    n_edges = edge_index.shape[1]
    n_chunks = -(-n_edges // (NSUB * CHUNK))
    e_pad = NSUB * n_chunks * CHUNK

    src = edge_index[0].astype(jnp.int32)
    dst = edge_index[1].astype(jnp.int32)
    pad = e_pad - n_edges
    src_p = jnp.concatenate([src, jnp.zeros((pad,), jnp.int32)])
    dst_p = jnp.concatenate([dst, jnp.full((pad,), N_NODES, jnp.int32)])
    src_p = src_p.reshape(NSUB, n_chunks, CHUNK)
    dst_p = dst_p.reshape(NSUB, n_chunks, CHUNK)

    h_lo = x[:, :HALF]
    h_hi = x[:, HALF:]
    agg_fn = _sc_aggregate(n_chunks)
    mlp_fn = _mlp(2000)

    out = None
    for i in range(W1.shape[0]):
        agg = agg_fn(h_lo, h_hi, src_p, dst_p)
        h_lo, h_hi, out = mlp_fn(agg, h_lo, h_hi, W1[i], b1[i].reshape(1, D),
                                 W2[i], b2[i].reshape(1, D))
    return out

# --- scband reference (transcript-rebuilt; emitter-appended) ---
"""Pipeline reference for scband-gin-module-49271864820386 (READ-ONLY COPY).

The authoritative reference and input builder live on the scoring server;
editing this copy changes nothing except your own understanding.
"""

import jax, jax.numpy as jnp
import numpy as np

NUM_LAYERS = 3
N_NODES = 50000
N_EDGES = 800000
D = 64

def setup_inputs(seed: int = 0) -> dict:
    key = jax.random.key(seed)
    k_x, k_e, k_w1, k_w2 = jax.random.split(key, 4)
    x = jax.random.normal(k_x, (N_NODES, D), dtype=jnp.float32)
    edge_index = jax.random.randint(k_e, (2, N_EDGES), 0, N_NODES, dtype=jnp.int64)
    # Per-layer MLP params: Linear(64,64) -> Tanh -> Linear(64,64), stacked over layers
    bound = 1.0 / np.sqrt(D)
    W1 = jax.random.uniform(k_w1, (NUM_LAYERS, D, D), dtype=jnp.float32, minval=-bound, maxval=bound)
    b1 = jnp.zeros((NUM_LAYERS, D), dtype=jnp.float32)
    W2 = jax.random.uniform(k_w2, (NUM_LAYERS, D, D), dtype=jnp.float32, minval=-bound, maxval=bound)
    b2 = jnp.zeros((NUM_LAYERS, D), dtype=jnp.float32)
    return {"x": x, "edge_index": edge_index, "W1": W1, "b1": b1, "W2": W2, "b2": b2}

def reference(x, edge_index, W1, b1, W2, b2):
    # DGL GINConv with aggregator_type='sum', init_eps=0, learn_eps=False:
    #   rst = (1 + eps) * feat_dst + sum_{j in N(i)} feat_src[j]
    #   out = apply_func(rst)  where apply_func = Linear -> Tanh -> Linear
    src = edge_index[0]
    dst = edge_index[1]
    h = x
    n = x.shape[0]
    for i in range(NUM_LAYERS):
        msgs = h[src]  # gather source features per edge
        agg = jax.ops.segment_sum(msgs, dst, num_segments=n)  # scatter-add to dst
        rst = agg + h  # eps = 0 -> (1+eps)*h = h
        rst = jnp.tanh(rst @ W1[i] + b1[i]) @ W2[i] + b2[i]
        h = rst
    return h

if __name__ == "__main__":
    import jax
    _d = setup_inputs()
    print(jax.jit(kernel)(*tuple(_d.values())))

</pallas_src>

<mosaic_0001>
#map = affine_map<(d0, d1) -> (0, 0)>
#map1 = affine_map<(d0, d1) -> (0, 0, 0)>
module attributes {stable_mosaic.version = 14 : i64} {
  func.func @agg_kernel(%arg0: i32, %arg1: i32, %arg2: memref<50000x32xf32, #tpu.memory_space<hbm>>, %arg3: memref<50000x32xf32, #tpu.memory_space<hbm>>, %arg4: memref<16x391x128xi32, #tpu.memory_space<hbm>>, %arg5: memref<16x391x128xi32, #tpu.memory_space<hbm>>, %arg6: memref<2x51200x32xf32, #tpu.memory_space<hbm>>, %arg7: memref<128xi32, #tpu.memory_space<vmem>>, %arg8: memref<128xi32, #tpu.memory_space<vmem>>, %arg9: memref<128x32xf32, #tpu.memory_space<vmem>>, %arg10: memref<200x32xf32, #tpu.memory_space<vmem>>, %arg11: memref<51200x32xf32, #tpu.memory_space<vmem_shared>>, %arg12: memref<!tpu.dma_semaphore, #tpu.memory_space<semaphore_mem>>) attributes {dimension_semantics = [#tpu.dimension_semantics<core_parallel>, #tpu.dimension_semantics<subcore_parallel>], iteration_bounds = array<i64: 2, 16>, scalar_prefetch = 0 : i64, scratch_operands = 6 : i64, tpu.core_type = #tpu.core_type<sc_vector_subcore>, window_params = [{transform_indices = #map}, {transform_indices = #map}, {transform_indices = #map1}, {transform_indices = #map1}, {transform_indices = #map1}]} {
    %broadcast_in_dim3A = arith.constant 0.000000e+00 : f32
    %broadcast_in_dim3A_0 = vector.broadcast %broadcast_in_dim3A : f32 to vector<16xf32>
    %scan3A = arith.constant 0 : i32
    %scan3A_1 = arith.constant 0 : i32
    %scan3A_2 = arith.constant 200 : i32
    %scan3A_3 = arith.addi %scan3A_1, %scan3A_2 : i32
    %scan3A_4 = arith.constant 1 : i32
    scf.for %scan3A_22 = %scan3A_1 to %scan3A_3 step %scan3A_4  : i32 {
      %swap3A = arith.index_cast %scan3A_22 : i32 to index
      %swap3A_23 = arith.constant 0 : index
      %swap3A_24 = tpu.vector_load %arg10[%swap3A, %swap3A_23] {strides = array<i32>} : memref<200x32xf32, #tpu.memory_space<vmem>>, vector<1x16xf32>,
      %swap3A_25 = vector.shape_cast %swap3A_24 : vector<1x16xf32> to vector<16xf32>
      %swap3A_26 = vector.shape_cast %broadcast_in_dim3A_0 : vector<16xf32> to vector<1x16xf32>
      tpu.vector_store %arg10[%swap3A, %swap3A_23], %swap3A_26 {strides = array<i32>} : memref<200x32xf32, #tpu.memory_space<vmem>>, vector<1x16xf32>,
      %swap3A_27 = arith.index_cast %scan3A_22 : i32 to index
      %swap3A_28 = arith.constant 16 : index
      %swap3A_29 = tpu.vector_load %arg10[%swap3A_27, %swap3A_28] {strides = array<i32>} : memref<200x32xf32, #tpu.memory_space<vmem>>, vector<1x16xf32>,
      %swap3A_30 = vector.shape_cast %swap3A_29 : vector<1x16xf32> to vector<16xf32>
      %swap3A_31 = vector.shape_cast %broadcast_in_dim3A_0 : vector<16xf32> to vector<1x16xf32>
      tpu.vector_store %arg10[%swap3A_27, %swap3A_28], %swap3A_31 {strides = array<i32>} : memref<200x32xf32, #tpu.memory_space<vmem>>, vector<1x16xf32>,
    }
    %scan3A_5 = arith.constant 200 : i32
    %scan3A_6 = arith.constant 0 : i32
    %scan3A_7 = arith.constant 0 : i32
    %scan3A_8 = arith.constant 16 : i32
    %scan3A_9 = arith.addi %scan3A_7, %scan3A_8 : i32
    %scan3A_10 = arith.constant 1 : i32
    scf.for %scan3A_22 = %scan3A_7 to %scan3A_9 step %scan3A_10  : i32 {
      %mul3A_23 = arith.constant 3200 : i32
      %mul3A_24 = arith.muli %arg1, %mul3A_23 : i32
      %mul3A_25 = arith.constant 200 : i32
      %mul3A_26 = arith.muli %scan3A_22, %mul3A_25 : i32
      %add3A = arith.addi %mul3A_24, %mul3A_26 : i32
      "tpu.region"() ({
        %run_scoped3A = tpu.sem_alloc : memref<!tpu.dma_semaphore, #tpu.memory_space<semaphore_mem>>
        %dma_start3A = arith.constant 0 : i32
        %dma_start3A_27 = tpu.memref_slice %arg11[%add3A, %dma_start3A] : memref<51200x32xf32, #tpu.memory_space<vmem_shared>> -> memref<200x32xf32, #tpu.memory_space<vmem_shared>>
        %dma_start3A_28 = arith.constant 0 : i32
        %dma_start3A_29 = tpu.memref_slice %arg11[%add3A, %dma_start3A_28] : memref<51200x32xf32, #tpu.memory_space<vmem_shared>> -> memref<200x32xf32, #tpu.memory_space<vmem_shared>>
        tpu.enqueue_dma source(%arg10 : memref<200x32xf32, #tpu.memory_space<vmem>>) target(%dma_start3A_29 : memref<200x32xf32, #tpu.memory_space<vmem_shared>>) target_semaphore(%run_scoped3A : memref<!tpu.dma_semaphore, #tpu.memory_space<semaphore_mem>>)
        %dma_wait3A = arith.constant 0 : i32
        %dma_wait3A_30 = tpu.memref_slice %arg11[%add3A, %dma_wait3A] : memref<51200x32xf32, #tpu.memory_space<vmem_shared>> -> memref<200x32xf32, #tpu.memory_space<vmem_shared>>
        %dma_wait3A_31 = arith.constant 0 : i32
        %dma_wait3A_32 = tpu.memref_slice %arg11[%add3A, %dma_wait3A_31] : memref<51200x32xf32, #tpu.memory_space<vmem_shared>> -> memref<200x32xf32, #tpu.memory_space<vmem_shared>>
        tpu.wait_dma2 semaphore(%run_scoped3A : memref<!tpu.dma_semaphore, #tpu.memory_space<semaphore_mem>>) src(%arg10 : memref<200x32xf32, #tpu.memory_space<vmem>>) dst(%dma_wait3A_32 : memref<200x32xf32, #tpu.memory_space<vmem_shared>>)
        tpu.yield
      }) : () -> ()
    }
    %scan3A_11 = arith.constant 16 : i32
    %barrier3A = arith.constant 0 : index
    tpu.barrier barrier_id(%barrier3A)
    %scan3A_12 = arith.constant 0 : i32
    %scan3A_13 = arith.constant 0 : i32
    %scan3A_14 = arith.constant 391 : i32
    %scan3A_15 = arith.addi %scan3A_13, %scan3A_14 : i32
    %scan3A_16 = arith.constant 1 : i32
    scf.for %scan3A_22 = %scan3A_13 to %scan3A_15 step %scan3A_16  : i32 {
      "tpu.region"() ({
        %run_scoped3A = tpu.sem_alloc : memref<!tpu.dma_semaphore, #tpu.memory_space<semaphore_mem>>
        %dma_start3A = arith.constant 0 : i32
        %dma_start3A_30 = tpu.memref_slice %arg4[%arg1, %scan3A_22, %dma_start3A] : memref<16x391x128xi32, #tpu.memory_space<hbm>> -> memref<1x1x128xi32, #tpu.memory_space<hbm>>
        %dma_start3A_31 = tpu.memref_squeeze %dma_start3A_30 : memref<1x1x128xi32, #tpu.memory_space<hbm>> -> memref<128xi32, #tpu.memory_space<hbm>>
        %dma_start3A_32 = arith.constant 0 : i32
        %dma_start3A_33 = tpu.memref_slice %arg4[%arg1, %scan3A_22, %dma_start3A_32] : memref<16x391x128xi32, #tpu.memory_space<hbm>> -> memref<1x1x128xi32, #tpu.memory_space<hbm>>
        %dma_start3A_34 = tpu.memref_squeeze %dma_start3A_33 : memref<1x1x128xi32, #tpu.memory_space<hbm>> -> memref<128xi32, #tpu.memory_space<hbm>>
        tpu.enqueue_dma source(%dma_start3A_34 : memref<128xi32, #tpu.memory_space<hbm>>) target(%arg7 : memref<128xi32, #tpu.memory_space<vmem>>) target_semaphore(%run_scoped3A : memref<!tpu.dma_semaphore, #tpu.memory_space<semaphore_mem>>)
        %dma_wait3A = arith.constant 0 : i32
        %dma_wait3A_35 = tpu.memref_slice %arg4[%arg1, %scan3A_22, %dma_wait3A] : memref<16x391x128xi32, #tpu.memory_space<hbm>> -> memref<1x1x128xi32, #tpu.memory_space<hbm>>
        %dma_wait3A_36 = tpu.memref_squeeze %dma_wait3A_35 : memref<1x1x128xi32, #tpu.memory_space<hbm>> -> memref<128xi32, #tpu.memory_space<hbm>>
        %dma_wait3A_37 = arith.constant 0 : i32
        %dma_wait3A_38 = tpu.memref_slice %arg4[%arg1, %scan3A_22, %dma_wait3A_37] : memref<16x391x128xi32, #tpu.memory_space<hbm>> -> memref<1x1x128xi32, #tpu.memory_space<hbm>>
        %dma_wait3A_39 = tpu.memref_squeeze %dma_wait3A_38 : memref<1x1x128xi32, #tpu.memory_space<hbm>> -> memref<128xi32, #tpu.memory_space<hbm>>
        tpu.wait_dma2 semaphore(%run_scoped3A : memref<!tpu.dma_semaphore, #tpu.memory_space<semaphore_mem>>) src(%dma_wait3A_39 : memref<128xi32, #tpu.memory_space<hbm>>) dst(%arg7 : memref<128xi32, #tpu.memory_space<vmem>>)
        tpu.yield
      }) : () -> ()
      "tpu.region"() ({
        %run_scoped3A = tpu.sem_alloc : memref<!tpu.dma_semaphore, #tpu.memory_space<semaphore_mem>>
        %dma_start3A = arith.constant 0 : i32
        %dma_start3A_30 = tpu.memref_slice %arg5[%arg1, %scan3A_22, %dma_start3A] : memref<16x391x128xi32, #tpu.memory_space<hbm>> -> memref<1x1x128xi32, #tpu.memory_space<hbm>>
        %dma_start3A_31 = tpu.memref_squeeze %dma_start3A_30 : memref<1x1x128xi32, #tpu.memory_space<hbm>> -> memref<128xi32, #tpu.memory_space<hbm>>
        %dma_start3A_32 = arith.constant 0 : i32
        %dma_start3A_33 = tpu.memref_slice %arg5[%arg1, %scan3A_22, %dma_start3A_32] : memref<16x391x128xi32, #tpu.memory_space<hbm>> -> memref<1x1x128xi32, #tpu.memory_space<hbm>>
        %dma_start3A_34 = tpu.memref_squeeze %dma_start3A_33 : memref<1x1x128xi32, #tpu.memory_space<hbm>> -> memref<128xi32, #tpu.memory_space<hbm>>
        tpu.enqueue_dma source(%dma_start3A_34 : memref<128xi32, #tpu.memory_space<hbm>>) target(%arg8 : memref<128xi32, #tpu.memory_space<vmem>>) target_semaphore(%run_scoped3A : memref<!tpu.dma_semaphore, #tpu.memory_space<semaphore_mem>>)
        %dma_wait3A = arith.constant 0 : i32
        %dma_wait3A_35 = tpu.memref_slice %arg5[%arg1, %scan3A_22, %dma_wait3A] : memref<16x391x128xi32, #tpu.memory_space<hbm>> -> memref<1x1x128xi32, #tpu.memory_space<hbm>>
        %dma_wait3A_36 = tpu.memref_squeeze %dma_wait3A_35 : memref<1x1x128xi32, #tpu.memory_space<hbm>> -> memref<128xi32, #tpu.memory_space<hbm>>
        %dma_wait3A_37 = arith.constant 0 : i32
        %dma_wait3A_38 = tpu.memref_slice %arg5[%arg1, %scan3A_22, %dma_wait3A_37] : memref<16x391x128xi32, #tpu.memory_space<hbm>> -> memref<1x1x128xi32, #tpu.memory_space<hbm>>
        %dma_wait3A_39 = tpu.memref_squeeze %dma_wait3A_38 : memref<1x1x128xi32, #tpu.memory_space<hbm>> -> memref<128xi32, #tpu.memory_space<hbm>>
        tpu.wait_dma2 semaphore(%run_scoped3A : memref<!tpu.dma_semaphore, #tpu.memory_space<semaphore_mem>>) src(%dma_wait3A_39 : memref<128xi32, #tpu.memory_space<hbm>>) dst(%arg8 : memref<128xi32, #tpu.memory_space<vmem>>)
        tpu.yield
      }) : () -> ()
      %eq3A = arith.constant 0 : i32
      %eq3A_23 = arith.cmpi eq, %arg0, %eq3A : i32
      %convert_element_type3A = arith.extui %eq3A_23 : i1 to i32
      %cond3A = arith.constant 0 : i32
      %cond3A_24 = arith.cmpi ne, %convert_element_type3A, %cond3A : i32
      scf.if %cond3A_24 {
        %dma_start3A = arith.constant 0 : i32
        %dma_start3A_30 = arith.constant 0 : i32
        %dma_start3A_31 = tpu.memref_slice %arg2[%dma_start3A, %dma_start3A_30] : memref<50000x32xf32, #tpu.memory_space<hbm>> -> memref<50000x32xf32, #tpu.memory_space<hbm>>
        tpu.enqueue_indirect_dma source(%dma_start3A_31 : memref<50000x32xf32, #tpu.memory_space<hbm>>) target(%arg9 : memref<128x32xf32, #tpu.memory_space<vmem>>) offsets(%arg7 : memref<128xi32, #tpu.memory_space<vmem>>) semaphore(%arg12 : memref<!tpu.dma_semaphore, #tpu.memory_space<semaphore_mem>>)
        %dma_wait3A = arith.constant 0 : i32
        %dma_wait3A_32 = arith.constant 0 : i32
        %dma_wait3A_33 = tpu.memref_slice %arg2[%dma_wait3A, %dma_wait3A_32] : memref<50000x32xf32, #tpu.memory_space<hbm>> -> memref<50000x32xf32, #tpu.memory_space<hbm>>
        tpu.wait_indirect_dma semaphore(%arg12 : memref<!tpu.dma_semaphore, #tpu.memory_space<semaphore_mem>>) src(%dma_wait3A_33 : memref<50000x32xf32, #tpu.memory_space<hbm>>) dst(%arg9 : memref<128x32xf32, #tpu.memory_space<vmem>>)
      } else {
      }
      %eq3A_25 = arith.constant 1 : i32
      %eq3A_26 = arith.cmpi eq, %arg0, %eq3A_25 : i32
      %convert_element_type3A_27 = arith.extui %eq3A_26 : i1 to i32
      %cond3A_28 = arith.constant 0 : i32
      %cond3A_29 = arith.cmpi ne, %convert_element_type3A_27, %cond3A_28 : i32
      scf.if %cond3A_29 {
        %dma_start3A = arith.constant 0 : i32
        %dma_start3A_30 = arith.constant 0 : i32
        %dma_start3A_31 = tpu.memref_slice %arg3[%dma_start3A, %dma_start3A_30] : memref<50000x32xf32, #tpu.memory_space<hbm>> -> memref<50000x32xf32, #tpu.memory_space<hbm>>
        tpu.enqueue_indirect_dma source(%dma_start3A_31 : memref<50000x32xf32, #tpu.memory_space<hbm>>) target(%arg9 : memref<128x32xf32, #tpu.memory_space<vmem>>) offsets(%arg7 : memref<128xi32, #tpu.memory_space<vmem>>) semaphore(%arg12 : memref<!tpu.dma_semaphore, #tpu.memory_space<semaphore_mem>>)
        %dma_wait3A = arith.constant 0 : i32
        %dma_wait3A_32 = arith.constant 0 : i32
        %dma_wait3A_33 = tpu.memref_slice %arg3[%dma_wait3A, %dma_wait3A_32] : memref<50000x32xf32, #tpu.memory_space<hbm>> -> memref<50000x32xf32, #tpu.memory_space<hbm>>
        tpu.wait_indirect_dma semaphore(%arg12 : memref<!tpu.dma_semaphore, #tpu.memory_space<semaphore_mem>>) src(%dma_wait3A_33 : memref<50000x32xf32, #tpu.memory_space<hbm>>) dst(%arg9 : memref<128x32xf32, #tpu.memory_space<vmem>>)
      } else {
      }
      "tpu.region"() ({
        %run_scoped3A = tpu.sem_alloc : memref<!tpu.dma_semaphore, #tpu.memory_space<semaphore_mem>>
        %dma_start3A = arith.constant 0 : i32
        %dma_start3A_30 = arith.constant 0 : i32
        %dma_start3A_31 = tpu.memref_slice %arg11[%dma_start3A, %dma_start3A_30] : memref<51200x32xf32, #tpu.memory_space<vmem_shared>> -> memref<51200x32xf32, #tpu.memory_space<vmem_shared>>
        tpu.enqueue_indirect_dma source(%arg9 : memref<128x32xf32, #tpu.memory_space<vmem>>) target(%dma_start3A_31 : memref<51200x32xf32, #tpu.memory_space<vmem_shared>>) offsets(%arg8 : memref<128xi32, #tpu.memory_space<vmem>>) semaphore(%run_scoped3A : memref<!tpu.dma_semaphore, #tpu.memory_space<semaphore_mem>>) {add = true}
        %dma_wait3A = arith.constant 0 : i32
        %dma_wait3A_32 = arith.constant 0 : i32
        %dma_wait3A_33 = tpu.memref_slice %arg11[%dma_wait3A, %dma_wait3A_32] : memref<51200x32xf32, #tpu.memory_space<vmem_shared>> -> memref<51200x32xf32, #tpu.memory_space<vmem_shared>>
        tpu.wait_indirect_dma semaphore(%run_scoped3A : memref<!tpu.dma_semaphore, #tpu.memory_space<semaphore_mem>>) src(%arg9 : memref<128x32xf32, #tpu.memory_space<vmem>>) dst(%dma_wait3A_33 : memref<51200x32xf32, #tpu.memory_space<vmem_shared>>)
        tpu.yield
      }) : () -> ()
    }
    %scan3A_17 = arith.constant 391 : i32
    %barrier3A_18 = arith.constant 0 : index
    tpu.barrier barrier_id(%barrier3A_18)
    %mul3A = arith.constant 3200 : i32
    %mul3A_19 = arith.muli %arg1, %mul3A : i32
    %mul3A_20 = arith.constant 3200 : i32
    %mul3A_21 = arith.muli %arg1, %mul3A_20 : i32
    "tpu.region"() ({
      %run_scoped3A = tpu.sem_alloc : memref<!tpu.dma_semaphore, #tpu.memory_space<semaphore_mem>>
      %dma_start3A = arith.constant 0 : i32
      %dma_start3A_22 = tpu.memref_slice %arg6[%arg0, %mul3A_21, %dma_start3A] : memref<2x51200x32xf32, #tpu.memory_space<hbm>> -> memref<1x3200x32xf32, #tpu.memory_space<hbm>>
      %dma_start3A_23 = tpu.memref_squeeze %dma_start3A_22 : memref<1x3200x32xf32, #tpu.memory_space<hbm>> -> memref<3200x32xf32, #tpu.memory_space<hbm>>
      %dma_start3A_24 = arith.constant 0 : i32
      %dma_start3A_25 = tpu.memref_slice %arg11[%mul3A_19, %dma_start3A_24] : memref<51200x32xf32, #tpu.memory_space<vmem_shared>> -> memref<3200x32xf32, #tpu.memory_space<vmem_shared>>
      tpu.enqueue_dma source(%dma_start3A_25 : memref<3200x32xf32, #tpu.memory_space<vmem_shared>>) target(%dma_start3A_23 : memref<3200x32xf32, #tpu.memory_space<hbm>>) target_semaphore(%run_scoped3A : memref<!tpu.dma_semaphore, #tpu.memory_space<semaphore_mem>>)
      %dma_wait3A = arith.constant 0 : i32
      %dma_wait3A_26 = tpu.memref_slice %arg6[%arg0, %mul3A_21, %dma_wait3A] : memref<2x51200x32xf32, #tpu.memory_space<hbm>> -> memref<1x3200x32xf32, #tpu.memory_space<hbm>>
      %dma_wait3A_27 = tpu.memref_squeeze %dma_wait3A_26 : memref<1x3200x32xf32, #tpu.memory_space<hbm>> -> memref<3200x32xf32, #tpu.memory_space<hbm>>
      %dma_wait3A_28 = arith.constant 0 : i32
      %dma_wait3A_29 = tpu.memref_slice %arg11[%mul3A_19, %dma_wait3A_28] : memref<51200x32xf32, #tpu.memory_space<vmem_shared>> -> memref<3200x32xf32, #tpu.memory_space<vmem_shared>>
      tpu.wait_dma2 semaphore(%run_scoped3A : memref<!tpu.dma_semaphore, #tpu.memory_space<semaphore_mem>>) src(%dma_wait3A_29 : memref<3200x32xf32, #tpu.memory_space<vmem_shared>>) dst(%dma_wait3A_27 : memref<3200x32xf32, #tpu.memory_space<hbm>>)
      tpu.yield
    }) : () -> ()
    return
  }
}

#map = affine_map<(d0, d1) -> (0, 0)>
#map1 = affine_map<(d0, d1) -> (0, 0, 0)>
module attributes {stable_mosaic.version = 14 : i64} {
  func.func @agg_kernel(%arg0: i32, %arg1: i32, %arg2: memref<50000x32xf32, #tpu.memory_space<hbm>>, %arg3: memref<50000x32xf32, #tpu.memory_space<hbm>>, %arg4: memref<16x391x128xi32, #tpu.memory_space<hbm>>, %arg5: memref<16x391x128xi32, #tpu.memory_space<hbm>>, %arg6: memref<2x51200x32xf32, #tpu.memory_space<hbm>>, %arg7: memref<128xi32, #tpu.memory_space<vmem>>, %arg8: memref<128xi32, #tpu.memory_space<vmem>>, %arg9: memref<128x32xf32, #tpu.memory_space<vmem>>, %arg10: memref<200x32xf32, #tpu.memory_space<vmem>>, %arg11: memref<51200x32xf32, #tpu.memory_space<vmem_shared>>, %arg12: memref<!tpu.dma_semaphore, #tpu.memory_space<semaphore_mem>>) attributes {dimension_semantics = [#tpu.dimension_semantics<core_parallel>, #tpu.dimension_semantics<subcore_parallel>], iteration_bounds = array<i64: 2, 16>, scalar_prefetch = 0 : i64, scratch_operands = 6 : i64, tpu.core_type = #tpu.core_type<sc_vector_subcore>, window_params = [{transform_indices = #map}, {transform_indices = #map}, {transform_indices = #map1}, {transform_indices = #map1}, {transform_indices = #map1}]} {
    %broadcast_in_dim3A = arith.constant 0.000000e+00 : f32
    %broadcast_in_dim3A_0 = vector.broadcast %broadcast_in_dim3A : f32 to vector<16xf32>
    %scan3A = arith.constant 0 : i32
    %scan3A_1 = arith.constant 0 : i32
    %scan3A_2 = arith.constant 200 : i32
    %scan3A_3 = arith.addi %scan3A_1, %scan3A_2 : i32
    %scan3A_4 = arith.constant 1 : i32
    scf.for %scan3A_22 = %scan3A_1 to %scan3A_3 step %scan3A_4  : i32 {
      %swap3A = arith.index_cast %scan3A_22 : i32 to index
      %swap3A_23 = arith.constant 0 : index
      %swap3A_24 = tpu.vector_load %arg10[%swap3A, %swap3A_23] {strides = array<i32>} : memref<200x32xf32, #tpu.memory_space<vmem>>, vector<1x16xf32>,
      %swap3A_25 = vector.shape_cast %swap3A_24 : vector<1x16xf32> to vector<16xf32>
      %swap3A_26 = vector.shape_cast %broadcast_in_dim3A_0 : vector<16xf32> to vector<1x16xf32>
      tpu.vector_store %arg10[%swap3A, %swap3A_23], %swap3A_26 {strides = array<i32>} : memref<200x32xf32, #tpu.memory_space<vmem>>, vector<1x16xf32>,
      %swap3A_27 = arith.index_cast %scan3A_22 : i32 to index
      %swap3A_28 = arith.constant 16 : index
      %swap3A_29 = tpu.vector_load %arg10[%swap3A_27, %swap3A_28] {strides = array<i32>} : memref<200x32xf32, #tpu.memory_space<vmem>>, vector<1x16xf32>,
      %swap3A_30 = vector.shape_cast %swap3A_29 : vector<1x16xf32> to vector<16xf32>
      %swap3A_31 = vector.shape_cast %broadcast_in_dim3A_0 : vector<16xf32> to vector<1x16xf32>
      tpu.vector_store %arg10[%swap3A_27, %swap3A_28], %swap3A_31 {strides = array<i32>} : memref<200x32xf32, #tpu.memory_space<vmem>>, vector<1x16xf32>,
    }
    %scan3A_5 = arith.constant 200 : i32
    %scan3A_6 = arith.constant 0 : i32
    %scan3A_7 = arith.constant 0 : i32
    %scan3A_8 = arith.constant 16 : i32
    %scan3A_9 = arith.addi %scan3A_7, %scan3A_8 : i32
    %scan3A_10 = arith.constant 1 : i32
    scf.for %scan3A_22 = %scan3A_7 to %scan3A_9 step %scan3A_10  : i32 {
      %mul3A_23 = arith.constant 3200 : i32
      %mul3A_24 = arith.muli %arg1, %mul3A_23 : i32
      %mul3A_25 = arith.constant 200 : i32
      %mul3A_26 = arith.muli %scan3A_22, %mul3A_25 : i32
      %add3A = arith.addi %mul3A_24, %mul3A_26 : i32
      "tpu.region"() ({
        %run_scoped3A = tpu.sem_alloc : memref<!tpu.dma_semaphore, #tpu.memory_space<semaphore_mem>>
        %dma_start3A = arith.constant 0 : i32
        %dma_start3A_27 = tpu.memref_slice %arg11[%add3A, %dma_start3A] : memref<51200x32xf32, #tpu.memory_space<vmem_shared>> -> memref<200x32xf32, #tpu.memory_space<vmem_shared>>
        %dma_start3A_28 = arith.constant 0 : i32
        %dma_start3A_29 = tpu.memref_slice %arg11[%add3A, %dma_start3A_28] : memref<51200x32xf32, #tpu.memory_space<vmem_shared>> -> memref<200x32xf32, #tpu.memory_space<vmem_shared>>
        tpu.enqueue_dma source(%arg10 : memref<200x32xf32, #tpu.memory_space<vmem>>) target(%dma_start3A_29 : memref<200x32xf32, #tpu.memory_space<vmem_shared>>) target_semaphore(%run_scoped3A : memref<!tpu.dma_semaphore, #tpu.memory_space<semaphore_mem>>)
        %dma_wait3A = arith.constant 0 : i32
        %dma_wait3A_30 = tpu.memref_slice %arg11[%add3A, %dma_wait3A] : memref<51200x32xf32, #tpu.memory_space<vmem_shared>> -> memref<200x32xf32, #tpu.memory_space<vmem_shared>>
        %dma_wait3A_31 = arith.constant 0 : i32
        %dma_wait3A_32 = tpu.memref_slice %arg11[%add3A, %dma_wait3A_31] : memref<51200x32xf32, #tpu.memory_space<vmem_shared>> -> memref<200x32xf32, #tpu.memory_space<vmem_shared>>
        tpu.wait_dma2 semaphore(%run_scoped3A : memref<!tpu.dma_semaphore, #tpu.memory_space<semaphore_mem>>) src(%arg10 : memref<200x32xf32, #tpu.memory_space<vmem>>) dst(%dma_wait3A_32 : memref<200x32xf32, #tpu.memory_space<vmem_shared>>)
        tpu.yield
      }) : () -> ()
    }
    %scan3A_11 = arith.constant 16 : i32
    %barrier3A = arith.constant 0 : index
    tpu.barrier barrier_id(%barrier3A)
    %scan3A_12 = arith.constant 0 : i32
    %scan3A_13 = arith.constant 0 : i32
    %scan3A_14 = arith.constant 391 : i32
    %scan3A_15 = arith.addi %scan3A_13, %scan3A_14 : i32
    %scan3A_16 = arith.constant 1 : i32
    scf.for %scan3A_22 = %scan3A_13 to %scan3A_15 step %scan3A_16  : i32 {
      "tpu.region"() ({
        %run_scoped3A = tpu.sem_alloc : memref<!tpu.dma_semaphore, #tpu.memory_space<semaphore_mem>>
        %dma_start3A = arith.constant 0 : i32
        %dma_start3A_30 = tpu.memref_slice %arg4[%arg1, %scan3A_22, %dma_start3A] : memref<16x391x128xi32, #tpu.memory_space<hbm>> -> memref<1x1x128xi32, #tpu.memory_space<hbm>>
        %dma_start3A_31 = tpu.memref_squeeze %dma_start3A_30 : memref<1x1x128xi32, #tpu.memory_space<hbm>> -> memref<128xi32, #tpu.memory_space<hbm>>
        %dma_start3A_32 = arith.constant 0 : i32
        %dma_start3A_33 = tpu.memref_slice %arg4[%arg1, %scan3A_22, %dma_start3A_32] : memref<16x391x128xi32, #tpu.memory_space<hbm>> -> memref<1x1x128xi32, #tpu.memory_space<hbm>>
        %dma_start3A_34 = tpu.memref_squeeze %dma_start3A_33 : memref<1x1x128xi32, #tpu.memory_space<hbm>> -> memref<128xi32, #tpu.memory_space<hbm>>
        tpu.enqueue_dma source(%dma_start3A_34 : memref<128xi32, #tpu.memory_space<hbm>>) target(%arg7 : memref<128xi32, #tpu.memory_space<vmem>>) target_semaphore(%run_scoped3A : memref<!tpu.dma_semaphore, #tpu.memory_space<semaphore_mem>>)
        %dma_wait3A = arith.constant 0 : i32
        %dma_wait3A_35 = tpu.memref_slice %arg4[%arg1, %scan3A_22, %dma_wait3A] : memref<16x391x128xi32, #tpu.memory_space<hbm>> -> memref<1x1x128xi32, #tpu.memory_space<hbm>>
        %dma_wait3A_36 = tpu.memref_squeeze %dma_wait3A_35 : memref<1x1x128xi32, #tpu.memory_space<hbm>> -> memref<128xi32, #tpu.memory_space<hbm>>
        %dma_wait3A_37 = arith.constant 0 : i32
        %dma_wait3A_38 = tpu.memref_slice %arg4[%arg1, %scan3A_22, %dma_wait3A_37] : memref<16x391x128xi32, #tpu.memory_space<hbm>> -> memref<1x1x128xi32, #tpu.memory_space<hbm>>
        %dma_wait3A_39 = tpu.memref_squeeze %dma_wait3A_38 : memref<1x1x128xi32, #tpu.memory_space<hbm>> -> memref<128xi32, #tpu.memory_space<hbm>>
        tpu.wait_dma2 semaphore(%run_scoped3A : memref<!tpu.dma_semaphore, #tpu.memory_space<semaphore_mem>>) src(%dma_wait3A_39 : memref<128xi32, #tpu.memory_space<hbm>>) dst(%arg7 : memref<128xi32, #tpu.memory_space<vmem>>)
        tpu.yield
      }) : () -> ()
      "tpu.region"() ({
        %run_scoped3A = tpu.sem_alloc : memref<!tpu.dma_semaphore, #tpu.memory_space<semaphore_mem>>
        %dma_start3A = arith.constant 0 : i32
        %dma_start3A_30 = tpu.memref_slice %arg5[%arg1, %scan3A_22, %dma_start3A] : memref<16x391x128xi32, #tpu.memory_space<hbm>> -> memref<1x1x128xi32, #tpu.memory_space<hbm>>
        %dma_start3A_31 = tpu.memref_squeeze %dma_start3A_30 : memref<1x1x128xi32, #tpu.memory_space<hbm>> -> memref<128xi32, #tpu.memory_space<hbm>>
        %dma_start3A_32 = arith.constant 0 : i32
        %dma_start3A_33 = tpu.memref_slice %arg5[%arg1, %scan3A_22, %dma_start3A_32] : memref<16x391x128xi32, #tpu.memory_space<hbm>> -> memref<1x1x128xi32, #tpu.memory_space<hbm>>
        %dma_start3A_34 = tpu.memref_squeeze %dma_start3A_33 : memref<1x1x128xi32, #tpu.memory_space<hbm>> -> memref<128xi32, #tpu.memory_space<hbm>>
        tpu.enqueue_dma source(%dma_start3A_34 : memref<128xi32, #tpu.memory_space<hbm>>) target(%arg8 : memref<128xi32, #tpu.memory_space<vmem>>) target_semaphore(%run_scoped3A : memref<!tpu.dma_semaphore, #tpu.memory_space<semaphore_mem>>)
        %dma_wait3A = arith.constant 0 : i32
        %dma_wait3A_35 = tpu.memref_slice %arg5[%arg1, %scan3A_22, %dma_wait3A] : memref<16x391x128xi32, #tpu.memory_space<hbm>> -> memref<1x1x128xi32, #tpu.memory_space<hbm>>
        %dma_wait3A_36 = tpu.memref_squeeze %dma_wait3A_35 : memref<1x1x128xi32, #tpu.memory_space<hbm>> -> memref<128xi32, #tpu.memory_space<hbm>>
        %dma_wait3A_37 = arith.constant 0 : i32
        %dma_wait3A_38 = tpu.memref_slice %arg5[%arg1, %scan3A_22, %dma_wait3A_37] : memref<16x391x128xi32, #tpu.memory_space<hbm>> -> memref<1x1x128xi32, #tpu.memory_space<hbm>>
        %dma_wait3A_39 = tpu.memref_squeeze %dma_wait3A_38 : memref<1x1x128xi32, #tpu.memory_space<hbm>> -> memref<128xi32, #tpu.memory_space<hbm>>
        tpu.wait_dma2 semaphore(%run_scoped3A : memref<!tpu.dma_semaphore, #tpu.memory_space<semaphore_mem>>) src(%dma_wait3A_39 : memref<128xi32, #tpu.memory_space<hbm>>) dst(%arg8 : memref<128xi32, #tpu.memory_space<vmem>>)
        tpu.yield
      }) : () -> ()
      %eq3A = arith.constant 0 : i32
      %eq3A_23 = arith.cmpi eq, %arg0, %eq3A : i32
      %convert_element_type3A = arith.extui %eq3A_23 : i1 to i32
      %cond3A = arith.constant 0 : i32
      %cond3A_24 = arith.cmpi ne, %convert_element_type3A, %cond3A : i32
      scf.if %cond3A_24 {
        %dma_start3A = arith.constant 0 : i32
        %dma_start3A_30 = arith.constant 0 : i32
        %dma_start3A_31 = tpu.memref_slice %arg2[%dma_start3A, %dma_start3A_30] : memref<50000x32xf32, #tpu.memory_space<hbm>> -> memref<50000x32xf32, #tpu.memory_space<hbm>>
        tpu.enqueue_indirect_dma source(%dma_start3A_31 : memref<50000x32xf32, #tpu.memory_space<hbm>>) target(%arg9 : memref<128x32xf32, #tpu.memory_space<vmem>>) offsets(%arg7 : memref<128xi32, #tpu.memory_space<vmem>>) semaphore(%arg12 : memref<!tpu.dma_semaphore, #tpu.memory_space<semaphore_mem>>)
        %dma_wait3A = arith.constant 0 : i32
        %dma_wait3A_32 = arith.constant 0 : i32
        %dma_wait3A_33 = tpu.memref_slice %arg2[%dma_wait3A, %dma_wait3A_32] : memref<50000x32xf32, #tpu.memory_space<hbm>> -> memref<50000x32xf32, #tpu.memory_space<hbm>>
        tpu.wait_indirect_dma semaphore(%arg12 : memref<!tpu.dma_semaphore, #tpu.memory_space<semaphore_mem>>) src(%dma_wait3A_33 : memref<50000x32xf32, #tpu.memory_space<hbm>>) dst(%arg9 : memref<128x32xf32, #tpu.memory_space<vmem>>)
      } else {
      }
      %eq3A_25 = arith.constant 1 : i32
      %eq3A_26 = arith.cmpi eq, %arg0, %eq3A_25 : i32
      %convert_element_type3A_27 = arith.extui %eq3A_26 : i1 to i32
      %cond3A_28 = arith.constant 0 : i32
      %cond3A_29 = arith.cmpi ne, %convert_element_type3A_27, %cond3A_28 : i32
      scf.if %cond3A_29 {
        %dma_start3A = arith.constant 0 : i32
        %dma_start3A_30 = arith.constant 0 : i32
        %dma_start3A_31 = tpu.memref_slice %arg3[%dma_start3A, %dma_start3A_30] : memref<50000x32xf32, #tpu.memory_space<hbm>> -> memref<50000x32xf32, #tpu.memory_space<hbm>>
        tpu.enqueue_indirect_dma source(%dma_start3A_31 : memref<50000x32xf32, #tpu.memory_space<hbm>>) target(%arg9 : memref<128x32xf32, #tpu.memory_space<vmem>>) offsets(%arg7 : memref<128xi32, #tpu.memory_space<vmem>>) semaphore(%arg12 : memref<!tpu.dma_semaphore, #tpu.memory_space<semaphore_mem>>)
        %dma_wait3A = arith.constant 0 : i32
        %dma_wait3A_32 = arith.constant 0 : i32
        %dma_wait3A_33 = tpu.memref_slice %arg3[%dma_wait3A, %dma_wait3A_32] : memref<50000x32xf32, #tpu.memory_space<hbm>> -> memref<50000x32xf32, #tpu.memory_space<hbm>>
        tpu.wait_indirect_dma semaphore(%arg12 : memref<!tpu.dma_semaphore, #tpu.memory_space<semaphore_mem>>) src(%dma_wait3A_33 : memref<50000x32xf32, #tpu.memory_space<hbm>>) dst(%arg9 : memref<128x32xf32, #tpu.memory_space<vmem>>)
      } else {
      }
      "tpu.region"() ({
        %run_scoped3A = tpu.sem_alloc : memref<!tpu.dma_semaphore, #tpu.memory_space<semaphore_mem>>
        %dma_start3A = arith.constant 0 : i32
        %dma_start3A_30 = arith.constant 0 : i32
        %dma_start3A_31 = tpu.memref_slice %arg11[%dma_start3A, %dma_start3A_30] : memref<51200x32xf32, #tpu.memory_space<vmem_shared>> -> memref<51200x32xf32, #tpu.memory_space<vmem_shared>>
        tpu.enqueue_indirect_dma source(%arg9 : memref<128x32xf32, #tpu.memory_space<vmem>>) target(%dma_start3A_31 : memref<51200x32xf32, #tpu.memory_space<vmem_shared>>) offsets(%arg8 : memref<128xi32, #tpu.memory_space<vmem>>) semaphore(%run_scoped3A : memref<!tpu.dma_semaphore, #tpu.memory_space<semaphore_mem>>) {add = true}
        %dma_wait3A = arith.constant 0 : i32
        %dma_wait3A_32 = arith.constant 0 : i32
        %dma_wait3A_33 = tpu.memref_slice %arg11[%dma_wait3A, %dma_wait3A_32] : memref<51200x32xf32, #tpu.memory_space<vmem_shared>> -> memref<51200x32xf32, #tpu.memory_space<vmem_shared>>
        tpu.wait_indirect_dma semaphore(%run_scoped3A : memref<!tpu.dma_semaphore, #tpu.memory_space<semaphore_mem>>) src(%arg9 : memref<128x32xf32, #tpu.memory_space<vmem>>) dst(%dma_wait3A_33 : memref<51200x32xf32, #tpu.memory_space<vmem_shared>>)
        tpu.yield
      }) : () -> ()
    }
    %scan3A_17 = arith.constant 391 : i32
    %barrier3A_18 = arith.constant 0 : index
    tpu.barrier barrier_id(%barrier3A_18)
    %mul3A = arith.constant 3200 : i32
    %mul3A_19 = arith.muli %arg1, %mul3A : i32
    %mul3A_20 = arith.constant 3200 : i32
    %mul3A_21 = arith.muli %arg1, %mul3A_20 : i32
    "tpu.region"() ({
      %run_scoped3A = tpu.sem_alloc : memref<!tpu.dma_semaphore, #tpu.memory_space<semaphore_mem>>
      %dma_start3A = arith.constant 0 : i32
      %dma_start3A_22 = tpu.memref_slice %arg6[%arg0, %mul3A_21, %dma_start3A] : memref<2x51200x32xf32, #tpu.memory_space<hbm>> -> memref<1x3200x32xf32, #tpu.memory_space<hbm>>
      %dma_start3A_23 = tpu.memref_squeeze %dma_start3A_22 : memref<1x3200x32xf32, #tpu.memory_space<hbm>> -> memref<3200x32xf32, #tpu.memory_space<hbm>>
      %dma_start3A_24 = arith.constant 0 : i32
      %dma_start3A_25 = tpu.memref_slice %arg11[%mul3A_19, %dma_start3A_24] : memref<51200x32xf32, #tpu.memory_space<vmem_shared>> -> memref<3200x32xf32, #tpu.memory_space<vmem_shared>>
      tpu.enqueue_dma source(%dma_start3A_25 : memref<3200x32xf32, #tpu.memory_space<vmem_shared>>) target(%dma_start3A_23 : memref<3200x32xf32, #tpu.memory_space<hbm>>) target_semaphore(%run_scoped3A : memref<!tpu.dma_semaphore, #tpu.memory_space<semaphore_mem>>)
      %dma_wait3A = arith.constant 0 : i32
      %dma_wait3A_26 = tpu.memref_slice %arg6[%arg0, %mul3A_21, %dma_wait3A] : memref<2x51200x32xf32, #tpu.memory_space<hbm>> -> memref<1x3200x32xf32, #tpu.memory_space<hbm>>
      %dma_wait3A_27 = tpu.memref_squeeze %dma_wait3A_26 : memref<1x3200x32xf32, #tpu.memory_space<hbm>> -> memref<3200x32xf32, #tpu.memory_space<hbm>>
      %dma_wait3A_28 = arith.constant 0 : i32
      %dma_wait3A_29 = tpu.memref_slice %arg11[%mul3A_19, %dma_wait3A_28] : memref<51200x32xf32, #tpu.memory_space<vmem_shared>> -> memref<3200x32xf32, #tpu.memory_space<vmem_shared>>
      tpu.wait_dma2 semaphore(%run_scoped3A : memref<!tpu.dma_semaphore, #tpu.memory_space<semaphore_mem>>) src(%dma_wait3A_29 : memref<3200x32xf32, #tpu.memory_space<vmem_shared>>) dst(%dma_wait3A_27 : memref<3200x32xf32, #tpu.memory_space<hbm>>)
      tpu.yield
    }) : () -> ()
    return
  }
}

#map = affine_map<(d0, d1) -> (0, 0)>
#map1 = affine_map<(d0, d1) -> (0, 0, 0)>
module attributes {stable_mosaic.version = 14 : i64} {
  func.func @agg_kernel(%arg0: i32, %arg1: i32, %arg2: memref<50000x32xf32, #tpu.memory_space<hbm>>, %arg3: memref<50000x32xf32, #tpu.memory_space<hbm>>, %arg4: memref<16x391x128xi32, #tpu.memory_space<hbm>>, %arg5: memref<16x391x128xi32, #tpu.memory_space<hbm>>, %arg6: memref<2x51200x32xf32, #tpu.memory_space<hbm>>, %arg7: memref<128xi32, #tpu.memory_space<vmem>>, %arg8: memref<128xi32, #tpu.memory_space<vmem>>, %arg9: memref<128x32xf32, #tpu.memory_space<vmem>>, %arg10: memref<200x32xf32, #tpu.memory_space<vmem>>, %arg11: memref<51200x32xf32, #tpu.memory_space<vmem_shared>>, %arg12: memref<!tpu.dma_semaphore, #tpu.memory_space<semaphore_mem>>) attributes {dimension_semantics = [#tpu.dimension_semantics<core_parallel>, #tpu.dimension_semantics<subcore_parallel>], iteration_bounds = array<i64: 2, 16>, scalar_prefetch = 0 : i64, scratch_operands = 6 : i64, tpu.core_type = #tpu.core_type<sc_vector_subcore>, window_params = [{transform_indices = #map}, {transform_indices = #map}, {transform_indices = #map1}, {transform_indices = #map1}, {transform_indices = #map1}]} {
    %broadcast_in_dim3A = arith.constant 0.000000e+00 : f32
    %broadcast_in_dim3A_0 = vector.broadcast %broadcast_in_dim3A : f32 to vector<16xf32>
    %scan3A = arith.constant 0 : i32
    %scan3A_1 = arith.constant 0 : i32
    %scan3A_2 = arith.constant 200 : i32
    %scan3A_3 = arith.addi %scan3A_1, %scan3A_2 : i32
    %scan3A_4 = arith.constant 1 : i32
    scf.for %scan3A_22 = %scan3A_1 to %scan3A_3 step %scan3A_4  : i32 {
      %swap3A = arith.index_cast %scan3A_22 : i32 to index
      %swap3A_23 = arith.constant 0 : index
      %swap3A_24 = tpu.vector_load %arg10[%swap3A, %swap3A_23] {strides = array<i32>} : memref<200x32xf32, #tpu.memory_space<vmem>>, vector<1x16xf32>,
      %swap3A_25 = vector.shape_cast %swap3A_24 : vector<1x16xf32> to vector<16xf32>
      %swap3A_26 = vector.shape_cast %broadcast_in_dim3A_0 : vector<16xf32> to vector<1x16xf32>
      tpu.vector_store %arg10[%swap3A, %swap3A_23], %swap3A_26 {strides = array<i32>} : memref<200x32xf32, #tpu.memory_space<vmem>>, vector<1x16xf32>,
      %swap3A_27 = arith.index_cast %scan3A_22 : i32 to index
      %swap3A_28 = arith.constant 16 : index
      %swap3A_29 = tpu.vector_load %arg10[%swap3A_27, %swap3A_28] {strides = array<i32>} : memref<200x32xf32, #tpu.memory_space<vmem>>, vector<1x16xf32>,
      %swap3A_30 = vector.shape_cast %swap3A_29 : vector<1x16xf32> to vector<16xf32>
      %swap3A_31 = vector.shape_cast %broadcast_in_dim3A_0 : vector<16xf32> to vector<1x16xf32>
      tpu.vector_store %arg10[%swap3A_27, %swap3A_28], %swap3A_31 {strides = array<i32>} : memref<200x32xf32, #tpu.memory_space<vmem>>, vector<1x16xf32>,
    }
    %scan3A_5 = arith.constant 200 : i32
    %scan3A_6 = arith.constant 0 : i32
    %scan3A_7 = arith.constant 0 : i32
    %scan3A_8 = arith.constant 16 : i32
    %scan3A_9 = arith.addi %scan3A_7, %scan3A_8 : i32
    %scan3A_10 = arith.constant 1 : i32
    scf.for %scan3A_22 = %scan3A_7 to %scan3A_9 step %scan3A_10  : i32 {
      %mul3A_23 = arith.constant 3200 : i32
      %mul3A_24 = arith.muli %arg1, %mul3A_23 : i32
      %mul3A_25 = arith.constant 200 : i32
      %mul3A_26 = arith.muli %scan3A_22, %mul3A_25 : i32
      %add3A = arith.addi %mul3A_24, %mul3A_26 : i32
      "tpu.region"() ({
        %run_scoped3A = tpu.sem_alloc : memref<!tpu.dma_semaphore, #tpu.memory_space<semaphore_mem>>
        %dma_start3A = arith.constant 0 : i32
        %dma_start3A_27 = tpu.memref_slice %arg11[%add3A, %dma_start3A] : memref<51200x32xf32, #tpu.memory_space<vmem_shared>> -> memref<200x32xf32, #tpu.memory_space<vmem_shared>>
        %dma_start3A_28 = arith.constant 0 : i32
        %dma_start3A_29 = tpu.memref_slice %arg11[%add3A, %dma_start3A_28] : memref<51200x32xf32, #tpu.memory_space<vmem_shared>> -> memref<200x32xf32, #tpu.memory_space<vmem_shared>>
        tpu.enqueue_dma source(%arg10 : memref<200x32xf32, #tpu.memory_space<vmem>>) target(%dma_start3A_29 : memref<200x32xf32, #tpu.memory_space<vmem_shared>>) target_semaphore(%run_scoped3A : memref<!tpu.dma_semaphore, #tpu.memory_space<semaphore_mem>>)
        %dma_wait3A = arith.constant 0 : i32
        %dma_wait3A_30 = tpu.memref_slice %arg11[%add3A, %dma_wait3A] : memref<51200x32xf32, #tpu.memory_space<vmem_shared>> -> memref<200x32xf32, #tpu.memory_space<vmem_shared>>
        %dma_wait3A_31 = arith.constant 0 : i32
        %dma_wait3A_32 = tpu.memref_slice %arg11[%add3A, %dma_wait3A_31] : memref<51200x32xf32, #tpu.memory_space<vmem_shared>> -> memref<200x32xf32, #tpu.memory_space<vmem_shared>>
        tpu.wait_dma2 semaphore(%run_scoped3A : memref<!tpu.dma_semaphore, #tpu.memory_space<semaphore_mem>>) src(%arg10 : memref<200x32xf32, #tpu.memory_space<vmem>>) dst(%dma_wait3A_32 : memref<200x32xf32, #tpu.memory_space<vmem_shared>>)
        tpu.yield
      }) : () -> ()
    }
    %scan3A_11 = arith.constant 16 : i32
    %barrier3A = arith.constant 0 : index
    tpu.barrier barrier_id(%barrier3A)
    %scan3A_12 = arith.constant 0 : i32
    %scan3A_13 = arith.constant 0 : i32
    %scan3A_14 = arith.constant 391 : i32
    %scan3A_15 = arith.addi %scan3A_13, %scan3A_14 : i32
    %scan3A_16 = arith.constant 1 : i32
    scf.for %scan3A_22 = %scan3A_13 to %scan3A_15 step %scan3A_16  : i32 {
      "tpu.region"() ({
        %run_scoped3A = tpu.sem_alloc : memref<!tpu.dma_semaphore, #tpu.memory_space<semaphore_mem>>
        %dma_start3A = arith.constant 0 : i32
        %dma_start3A_30 = tpu.memref_slice %arg4[%arg1, %scan3A_22, %dma_start3A] : memref<16x391x128xi32, #tpu.memory_space<hbm>> -> memref<1x1x128xi32, #tpu.memory_space<hbm>>
        %dma_start3A_31 = tpu.memref_squeeze %dma_start3A_30 : memref<1x1x128xi32, #tpu.memory_space<hbm>> -> memref<128xi32, #tpu.memory_space<hbm>>
        %dma_start3A_32 = arith.constant 0 : i32
        %dma_start3A_33 = tpu.memref_slice %arg4[%arg1, %scan3A_22, %dma_start3A_32] : memref<16x391x128xi32, #tpu.memory_space<hbm>> -> memref<1x1x128xi32, #tpu.memory_space<hbm>>
        %dma_start3A_34 = tpu.memref_squeeze %dma_start3A_33 : memref<1x1x128xi32, #tpu.memory_space<hbm>> -> memref<128xi32, #tpu.memory_space<hbm>>
        tpu.enqueue_dma source(%dma_start3A_34 : memref<128xi32, #tpu.memory_space<hbm>>) target(%arg7 : memref<128xi32, #tpu.memory_space<vmem>>) target_semaphore(%run_scoped3A : memref<!tpu.dma_semaphore, #tpu.memory_space<semaphore_mem>>)
        %dma_wait3A = arith.constant 0 : i32
        %dma_wait3A_35 = tpu.memref_slice %arg4[%arg1, %scan3A_22, %dma_wait3A] : memref<16x391x128xi32, #tpu.memory_space<hbm>> -> memref<1x1x128xi32, #tpu.memory_space<hbm>>
        %dma_wait3A_36 = tpu.memref_squeeze %dma_wait3A_35 : memref<1x1x128xi32, #tpu.memory_space<hbm>> -> memref<128xi32, #tpu.memory_space<hbm>>
        %dma_wait3A_37 = arith.constant 0 : i32
        %dma_wait3A_38 = tpu.memref_slice %arg4[%arg1, %scan3A_22, %dma_wait3A_37] : memref<16x391x128xi32, #tpu.memory_space<hbm>> -> memref<1x1x128xi32, #tpu.memory_space<hbm>>
        %dma_wait3A_39 = tpu.memref_squeeze %dma_wait3A_38 : memref<1x1x128xi32, #tpu.memory_space<hbm>> -> memref<128xi32, #tpu.memory_space<hbm>>
        tpu.wait_dma2 semaphore(%run_scoped3A : memref<!tpu.dma_semaphore, #tpu.memory_space<semaphore_mem>>) src(%dma_wait3A_39 : memref<128xi32, #tpu.memory_space<hbm>>) dst(%arg7 : memref<128xi32, #tpu.memory_space<vmem>>)
        tpu.yield
      }) : () -> ()
      "tpu.region"() ({
        %run_scoped3A = tpu.sem_alloc : memref<!tpu.dma_semaphore, #tpu.memory_space<semaphore_mem>>
        %dma_start3A = arith.constant 0 : i32
        %dma_start3A_30 = tpu.memref_slice %arg5[%arg1, %scan3A_22, %dma_start3A] : memref<16x391x128xi32, #tpu.memory_space<hbm>> -> memref<1x1x128xi32, #tpu.memory_space<hbm>>
        %dma_start3A_31 = tpu.memref_squeeze %dma_start3A_30 : memref<1x1x128xi32, #tpu.memory_space<hbm>> -> memref<128xi32, #tpu.memory_space<hbm>>
        %dma_start3A_32 = arith.constant 0 : i32
        %dma_start3A_33 = tpu.memref_slice %arg5[%arg1, %scan3A_22, %dma_start3A_32] : memref<16x391x128xi32, #tpu.memory_space<hbm>> -> memref<1x1x128xi32, #tpu.memory_space<hbm>>
        %dma_start3A_34 = tpu.memref_squeeze %dma_start3A_33 : memref<1x1x128xi32, #tpu.memory_space<hbm>> -> memref<128xi32, #tpu.memory_space<hbm>>
        tpu.enqueue_dma source(%dma_start3A_34 : memref<128xi32, #tpu.memory_space<hbm>>) target(%arg8 : memref<128xi32, #tpu.memory_space<vmem>>) target_semaphore(%run_scoped3A : memref<!tpu.dma_semaphore, #tpu.memory_space<semaphore_mem>>)
        %dma_wait3A = arith.constant 0 : i32
        %dma_wait3A_35 = tpu.memref_slice %arg5[%arg1, %scan3A_22, %dma_wait3A] : memref<16x391x128xi32, #tpu.memory_space<hbm>> -> memref<1x1x128xi32, #tpu.memory_space<hbm>>
        %dma_wait3A_36 = tpu.memref_squeeze %dma_wait3A_35 : memref<1x1x128xi32, #tpu.memory_space<hbm>> -> memref<128xi32, #tpu.memory_space<hbm>>
        %dma_wait3A_37 = arith.constant 0 : i32
        %dma_wait3A_38 = tpu.memref_slice %arg5[%arg1, %scan3A_22, %dma_wait3A_37] : memref<16x391x128xi32, #tpu.memory_space<hbm>> -> memref<1x1x128xi32, #tpu.memory_space<hbm>>
        %dma_wait3A_39 = tpu.memref_squeeze %dma_wait3A_38 : memref<1x1x128xi32, #tpu.memory_space<hbm>> -> memref<128xi32, #tpu.memory_space<hbm>>
        tpu.wait_dma2 semaphore(%run_scoped3A : memref<!tpu.dma_semaphore, #tpu.memory_space<semaphore_mem>>) src(%dma_wait3A_39 : memref<128xi32, #tpu.memory_space<hbm>>) dst(%arg8 : memref<128xi32, #tpu.memory_space<vmem>>)
        tpu.yield
      }) : () -> ()
      %eq3A = arith.constant 0 : i32
      %eq3A_23 = arith.cmpi eq, %arg0, %eq3A : i32
      %convert_element_type3A = arith.extui %eq3A_23 : i1 to i32
      %cond3A = arith.constant 0 : i32
      %cond3A_24 = arith.cmpi ne, %convert_element_type3A, %cond3A : i32
      scf.if %cond3A_24 {
        %dma_start3A = arith.constant 0 : i32
        %dma_start3A_30 = arith.constant 0 : i32
        %dma_start3A_31 = tpu.memref_slice %arg2[%dma_start3A, %dma_start3A_30] : memref<50000x32xf32, #tpu.memory_space<hbm>> -> memref<50000x32xf32, #tpu.memory_space<hbm>>
        tpu.enqueue_indirect_dma source(%dma_start3A_31 : memref<50000x32xf32, #tpu.memory_space<hbm>>) target(%arg9 : memref<128x32xf32, #tpu.memory_space<vmem>>) offsets(%arg7 : memref<128xi32, #tpu.memory_space<vmem>>) semaphore(%arg12 : memref<!tpu.dma_semaphore, #tpu.memory_space<semaphore_mem>>)
        %dma_wait3A = arith.constant 0 : i32
        %dma_wait3A_32 = arith.constant 0 : i32
        %dma_wait3A_33 = tpu.memref_slice %arg2[%dma_wait3A, %dma_wait3A_32] : memref<50000x32xf32, #tpu.memory_space<hbm>> -> memref<50000x32xf32, #tpu.memory_space<hbm>>
        tpu.wait_indirect_dma semaphore(%arg12 : memref<!tpu.dma_semaphore, #tpu.memory_space<semaphore_mem>>) src(%dma_wait3A_33 : memref<50000x32xf32, #tpu.memory_space<hbm>>) dst(%arg9 : memref<128x32xf32, #tpu.memory_space<vmem>>)
      } else {
      }
      %eq3A_25 = arith.constant 1 : i32
      %eq3A_26 = arith.cmpi eq, %arg0, %eq3A_25 : i32
      %convert_element_type3A_27 = arith.extui %eq3A_26 : i1 to i32
      %cond3A_28 = arith.constant 0 : i32
      %cond3A_29 = arith.cmpi ne, %convert_element_type3A_27, %cond3A_28 : i32
      scf.if %cond3A_29 {
        %dma_start3A = arith.constant 0 : i32
        %dma_start3A_30 = arith.constant 0 : i32
        %dma_start3A_31 = tpu.memref_slice %arg3[%dma_start3A, %dma_start3A_30] : memref<50000x32xf32, #tpu.memory_space<hbm>> -> memref<50000x32xf32, #tpu.memory_space<hbm>>
        tpu.enqueue_indirect_dma source(%dma_start3A_31 : memref<50000x32xf32, #tpu.memory_space<hbm>>) target(%arg9 : memref<128x32xf32, #tpu.memory_space<vmem>>) offsets(%arg7 : memref<128xi32, #tpu.memory_space<vmem>>) semaphore(%arg12 : memref<!tpu.dma_semaphore, #tpu.memory_space<semaphore_mem>>)
        %dma_wait3A = arith.constant 0 : i32
        %dma_wait3A_32 = arith.constant 0 : i32
        %dma_wait3A_33 = tpu.memref_slice %arg3[%dma_wait3A, %dma_wait3A_32] : memref<50000x32xf32, #tpu.memory_space<hbm>> -> memref<50000x32xf32, #tpu.memory_space<hbm>>
        tpu.wait_indirect_dma semaphore(%arg12 : memref<!tpu.dma_semaphore, #tpu.memory_space<semaphore_mem>>) src(%dma_wait3A_33 : memref<50000x32xf32, #tpu.memory_space<hbm>>) dst(%arg9 : memref<128x32xf32, #tpu.memory_space<vmem>>)
      } else {
      }
      "tpu.region"() ({
        %run_scoped3A = tpu.sem_alloc : memref<!tpu.dma_semaphore, #tpu.memory_space<semaphore_mem>>
        %dma_start3A = arith.constant 0 : i32
        %dma_start3A_30 = arith.constant 0 : i32
        %dma_start3A_31 = tpu.memref_slice %arg11[%dma_start3A, %dma_start3A_30] : memref<51200x32xf32, #tpu.memory_space<vmem_shared>> -> memref<51200x32xf32, #tpu.memory_space<vmem_shared>>
        tpu.enqueue_indirect_dma source(%arg9 : memref<128x32xf32, #tpu.memory_space<vmem>>) target(%dma_start3A_31 : memref<51200x32xf32, #tpu.memory_space<vmem_shared>>) offsets(%arg8 : memref<128xi32, #tpu.memory_space<vmem>>) semaphore(%run_scoped3A : memref<!tpu.dma_semaphore, #tpu.memory_space<semaphore_mem>>) {add = true}
        %dma_wait3A = arith.constant 0 : i32
        %dma_wait3A_32 = arith.constant 0 : i32
        %dma_wait3A_33 = tpu.memref_slice %arg11[%dma_wait3A, %dma_wait3A_32] : memref<51200x32xf32, #tpu.memory_space<vmem_shared>> -> memref<51200x32xf32, #tpu.memory_space<vmem_shared>>
        tpu.wait_indirect_dma semaphore(%run_scoped3A : memref<!tpu.dma_semaphore, #tpu.memory_space<semaphore_mem>>) src(%arg9 : memref<128x32xf32, #tpu.memory_space<vmem>>) dst(%dma_wait3A_33 : memref<51200x32xf32, #tpu.memory_space<vmem_shared>>)
        tpu.yield
      }) : () -> ()
    }
    %scan3A_17 = arith.constant 391 : i32
    %barrier3A_18 = arith.constant 0 : index
    tpu.barrier barrier_id(%barrier3A_18)
    %mul3A = arith.constant 3200 : i32
    %mul3A_19 = arith.muli %arg1, %mul3A : i32
    %mul3A_20 = arith.constant 3200 : i32
    %mul3A_21 = arith.muli %arg1, %mul3A_20 : i32
    "tpu.region"() ({
      %run_scoped3A = tpu.sem_alloc : memref<!tpu.dma_semaphore, #tpu.memory_space<semaphore_mem>>
      %dma_start3A = arith.constant 0 : i32
      %dma_start3A_22 = tpu.memref_slice %arg6[%arg0, %mul3A_21, %dma_start3A] : memref<2x51200x32xf32, #tpu.memory_space<hbm>> -> memref<1x3200x32xf32, #tpu.memory_space<hbm>>
      %dma_start3A_23 = tpu.memref_squeeze %dma_start3A_22 : memref<1x3200x32xf32, #tpu.memory_space<hbm>> -> memref<3200x32xf32, #tpu.memory_space<hbm>>
      %dma_start3A_24 = arith.constant 0 : i32
      %dma_start3A_25 = tpu.memref_slice %arg11[%mul3A_19, %dma_start3A_24] : memref<51200x32xf32, #tpu.memory_space<vmem_shared>> -> memref<3200x32xf32, #tpu.memory_space<vmem_shared>>
      tpu.enqueue_dma source(%dma_start3A_25 : memref<3200x32xf32, #tpu.memory_space<vmem_shared>>) target(%dma_start3A_23 : memref<3200x32xf32, #tpu.memory_space<hbm>>) target_semaphore(%run_scoped3A : memref<!tpu.dma_semaphore, #tpu.memory_space<semaphore_mem>>)
      %dma_wait3A = arith.constant 0 : i32
      %dma_wait3A_26 = tpu.memref_slice %arg6[%arg0, %mul3A_21, %dma_wait3A] : memref<2x51200x32xf32, #tpu.memory_space<hbm>> -> memref<1x3200x32xf32, #tpu.memory_space<hbm>>
      %dma_wait3A_27 = tpu.memref_squeeze %dma_wait3A_26 : memref<1x3200x32xf32, #tpu.memory_space<hbm>> -> memref<3200x32xf32, #tpu.memory_space<hbm>>
      %dma_wait3A_28 = arith.constant 0 : i32
      %dma_wait3A_29 = tpu.memref_slice %arg11[%mul3A_19, %dma_wait3A_28] : memref<51200x32xf32, #tpu.memory_space<vmem_shared>> -> memref<3200x32xf32, #tpu.memory_space<vmem_shared>>
      tpu.wait_dma2 semaphore(%run_scoped3A : memref<!tpu.dma_semaphore, #tpu.memory_space<semaphore_mem>>) src(%dma_wait3A_29 : memref<3200x32xf32, #tpu.memory_space<vmem_shared>>) dst(%dma_wait3A_27 : memref<3200x32xf32, #tpu.memory_space<hbm>>)
      tpu.yield
    }) : () -> ()
    return
  }
}

module attributes {stable_mosaic.version = 14 : i64} {
  func.func @_mlp_body(%arg0: i32, %arg1: memref<2x2000x32xf32, #tpu.memory_space<vmem>>, %arg2: memref<2000x32xf32, #tpu.memory_space<vmem>>, %arg3: memref<2000x32xf32, #tpu.memory_space<vmem>>, %arg4: memref<64x64xf32, #tpu.memory_space<vmem>>, %arg5: memref<1x64xf32, #tpu.memory_space<vmem>>, %arg6: memref<64x64xf32, #tpu.memory_space<vmem>>, %arg7: memref<1x64xf32, #tpu.memory_space<vmem>>, %arg8: memref<2000x32xf32, #tpu.memory_space<vmem>>, %arg9: memref<2000x32xf32, #tpu.memory_space<vmem>>, %arg10: memref<2000x64xf32, #tpu.memory_space<vmem>>) attributes {dimension_semantics = [#tpu.dimension_semantics<arbitrary>], iteration_bounds = array<i64: 25>, scalar_prefetch = 0 : i64, scratch_operands = 0 : i64, tpu.core_type = #tpu.core_type<tc>, window_params = [{transform_indices = @transform_0, window_bounds = array<i64: 2, 2000, 32>}, {transform_indices = @transform_1, window_bounds = array<i64: 2000, 32>}, {transform_indices = @transform_2, window_bounds = array<i64: 2000, 32>}, {pipeline_mode = #tpu.pipeline_mode<synchronous>, transform_indices = @transform_3, window_bounds = array<i64: 64, 64>}, {pipeline_mode = #tpu.pipeline_mode<synchronous>, transform_indices = @transform_4, window_bounds = array<i64: 1, 64>}, {pipeline_mode = #tpu.pipeline_mode<synchronous>, transform_indices = @transform_5, window_bounds = array<i64: 64, 64>}, {pipeline_mode = #tpu.pipeline_mode<synchronous>, transform_indices = @transform_6, window_bounds = array<i64: 1, 64>}, {transform_indices = @transform_7, window_bounds = array<i64: 2000, 32>}, {transform_indices = @transform_8, window_bounds = array<i64: 2000, 32>}, {transform_indices = @transform_9, window_bounds = array<i64: 2000, 64>}]} {
    %get3A = arith.constant 0 : index
    %get3A_0 = arith.constant 0 : index
    %get3A_1 = arith.constant 0 : index
    %get3A_2 = vector.load %arg1[%get3A, %get3A_0, %get3A_1] : memref<2x2000x32xf32, #tpu.memory_space<vmem>>, vector<1x2000x32xf32>
    %get3A_3 = vector.shape_cast %get3A_2 : vector<1x2000x32xf32> to vector<2000x32xf32>
    %get3A_4 = arith.constant 0 : index
    %get3A_5 = arith.constant 0 : index
    %get3A_6 = vector.load %arg2[%get3A_4, %get3A_5] : memref<2000x32xf32, #tpu.memory_space<vmem>>, vector<2000x32xf32>
    %add3A = arith.addf %get3A_3, %get3A_6 : vector<2000x32xf32>
    %get3A_7 = arith.constant 1 : index
    %get3A_8 = arith.constant 0 : index
    %get3A_9 = arith.constant 0 : index
    %get3A_10 = vector.load %arg1[%get3A_7, %get3A_8, %get3A_9] : memref<2x2000x32xf32, #tpu.memory_space<vmem>>, vector<1x2000x32xf32>
    %get3A_11 = vector.shape_cast %get3A_10 : vector<1x2000x32xf32> to vector<2000x32xf32>
    %get3A_12 = arith.constant 0 : index
    %get3A_13 = arith.constant 0 : index
    %get3A_14 = vector.load %arg3[%get3A_12, %get3A_13] : memref<2000x32xf32, #tpu.memory_space<vmem>>, vector<2000x32xf32>
    %add3A_15 = arith.addf %get3A_11, %get3A_14 : vector<2000x32xf32>
    %concatenate3A = tpu.concatenate %add3A, %add3A_15 in 1 : vector<2000x32xf32>, vector<2000x32xf32> -> vector<2000x64xf32>
    %get3A_16 = arith.constant 0 : index
    %get3A_17 = arith.constant 0 : index
    %get3A_18 = vector.load %arg4[%get3A_16, %get3A_17] : memref<64x64xf32, #tpu.memory_space<vmem>>, vector<64x64xf32>
    %dot_general3A = arith.constant dense<0.000000e+00> : vector<2000x64xf32>
    %dot_general3A_19 = tpu.matmul %concatenate3A, %get3A_18, %dot_general3A {dimension_numbers = #tpu.dot_dimension_numbers<[1], [0], [0], [1], [0, 0, 1, 1], [], []>, transpose_lhs_hint = false} : vector<2000x64xf32>, vector<64x64xf32>, vector<2000x64xf32> -> vector<2000x64xf32>
    %get3A_20 = arith.constant 0 : index
    %get3A_21 = arith.constant 0 : index
    %get3A_22 = vector.load %arg5[%get3A_20, %get3A_21] : memref<1x64xf32, #tpu.memory_space<vmem>>, vector<1x64xf32>
    %add3A_23 = vector.broadcast %get3A_22 : vector<1x64xf32> to vector<2000x64xf32>
    %add3A_24 = arith.addf %dot_general3A_19, %add3A_23 : vector<2000x64xf32>
    %tanh3A = math.tanh %add3A_24 : vector<2000x64xf32>
    %get3A_25 = arith.constant 0 : index
    %get3A_26 = arith.constant 0 : index
    %get3A_27 = vector.load %arg6[%get3A_25, %get3A_26] : memref<64x64xf32, #tpu.memory_space<vmem>>, vector<64x64xf32>
    %dot_general3A_28 = arith.constant dense<0.000000e+00> : vector<2000x64xf32>
    %dot_general3A_29 = tpu.matmul %tanh3A, %get3A_27, %dot_general3A_28 {dimension_numbers = #tpu.dot_dimension_numbers<[1], [0], [0], [1], [0, 0, 1, 1], [], []>, transpose_lhs_hint = false} : vector<2000x64xf32>, vector<64x64xf32>, vector<2000x64xf32> -> vector<2000x64xf32>
    %get3A_30 = arith.constant 0 : index
    %get3A_31 = arith.constant 0 : index
    %get3A_32 = vector.load %arg7[%get3A_30, %get3A_31] : memref<1x64xf32, #tpu.memory_space<vmem>>, vector<1x64xf32>
    %add3A_33 = vector.broadcast %get3A_32 : vector<1x64xf32> to vector<2000x64xf32>
    %add3A_34 = arith.addf %dot_general3A_29, %add3A_33 : vector<2000x64xf32>
    %swap3A = arith.constant 0 : index
    %swap3A_35 = arith.constant 0 : index
    %swap3A_36 = vector.load %arg10[%swap3A, %swap3A_35] : memref<2000x64xf32, #tpu.memory_space<vmem>>, vector<2000x64xf32>
    tpu.vector_store %arg10[%swap3A, %swap3A_35], %add3A_34 {strides = array<i32>} : memref<2000x64xf32, #tpu.memory_space<vmem>>, vector<2000x64xf32>,
    %slice3A = vector.extract_strided_slice %add3A_34 {offsets = [0, 0], sizes = [2000, 32], strides = [1, 1]} : vector<2000x64xf32> to vector<2000x32xf32>
    %swap3A_37 = arith.constant 0 : index
    %swap3A_38 = arith.constant 0 : index
    %swap3A_39 = vector.load %arg8[%swap3A_37, %swap3A_38] : memref<2000x32xf32, #tpu.memory_space<vmem>>, vector<2000x32xf32>
    tpu.vector_store %arg8[%swap3A_37, %swap3A_38], %slice3A {strides = array<i32>} : memref<2000x32xf32, #tpu.memory_space<vmem>>, vector<2000x32xf32>,
    %slice3A_40 = vector.extract_strided_slice %add3A_34 {offsets = [0, 32], sizes = [2000, 32], strides = [1, 1]} : vector<2000x64xf32> to vector<2000x32xf32>
    %swap3A_41 = arith.constant 0 : index
    %swap3A_42 = arith.constant 0 : index
    %swap3A_43 = vector.load %arg9[%swap3A_41, %swap3A_42] : memref<2000x32xf32, #tpu.memory_space<vmem>>, vector<2000x32xf32>
    tpu.vector_store %arg9[%swap3A_41, %swap3A_42], %slice3A_40 {strides = array<i32>} : memref<2000x32xf32, #tpu.memory_space<vmem>>, vector<2000x32xf32>,
    return
  }
  func.func @transform_0(%arg0: i32) -> (i32, i32, i32) {
    %c0_i32 = arith.constant 0 : i32
    %c0_i32_0 = arith.constant 0 : i32
    %c0_i32_1 = arith.constant 0 : i32
    return %c0_i32, %arg0, %c0_i32_0 : i32, i32, i32
  }
  func.func @transform_1(%arg0: i32) -> (i32, i32) {
    %c0_i32 = arith.constant 0 : i32
    %c0_i32_0 = arith.constant 0 : i32
    return %arg0, %c0_i32 : i32, i32
  }
  func.func @transform_2(%arg0: i32) -> (i32, i32) {
    %c0_i32 = arith.constant 0 : i32
    %c0_i32_0 = arith.constant 0 : i32
    return %arg0, %c0_i32 : i32, i32
  }
  func.func @transform_3(%arg0: i32) -> (i32, i32) {
    %c0_i32 = arith.constant 0 : i32
    %c0_i32_0 = arith.constant 0 : i32
    %c0_i32_1 = arith.constant 0 : i32
    return %c0_i32, %c0_i32_0 : i32, i32
  }
  func.func @transform_4(%arg0: i32) -> (i32, i32) {
    %c0_i32 = arith.constant 0 : i32
    %c0_i32_0 = arith.constant 0 : i32
    %c0_i32_1 = arith.constant 0 : i32
    return %c0_i32, %c0_i32_0 : i32, i32
  }
  func.func @transform_5(%arg0: i32) -> (i32, i32) {
    %c0_i32 = arith.constant 0 : i32
    %c0_i32_0 = arith.constant 0 : i32
    %c0_i32_1 = arith.constant 0 : i32
    return %c0_i32, %c0_i32_0 : i32, i32
  }
  func.func @transform_6(%arg0: i32) -> (i32, i32) {
    %c0_i32 = arith.constant 0 : i32
    %c0_i32_0 = arith.constant 0 : i32
    %c0_i32_1 = arith.constant 0 : i32
    return %c0_i32, %c0_i32_0 : i32, i32
  }
  func.func @transform_7(%arg0: i32) -> (i32, i32) {
    %c0_i32 = arith.constant 0 : i32
    %c0_i32_0 = arith.constant 0 : i32
    return %arg0, %c0_i32 : i32, i32
  }
  func.func @transform_8(%arg0: i32) -> (i32, i32) {
    %c0_i32 = arith.constant 0 : i32
    %c0_i32_0 = arith.constant 0 : i32
    return %arg0, %c0_i32 : i32, i32
  }
  func.func @transform_9(%arg0: i32) -> (i32, i32) {
    %c0_i32 = arith.constant 0 : i32
    %c0_i32_0 = arith.constant 0 : i32
    return %arg0, %c0_i32 : i32, i32
  }
}

</mosaic_0001>

<sc_bundles>
// kernel: kernel.11.cloned.1.call-start
scs
__scs_entry_jumppad:
0x0: {  	(pc) =	sbr.rel $0x88, $3  }
0x1: {  	(tag) =	ssettag $0x0;
	lr =	simm.s32 $0x1  }
0x2: {  	[smem:$0x3F9B] =	sst lr;
	_ =	strace $0xD0000000  }
0x3: {  	_ = 	snop  }
0x4: {  	_ = 	snop  }
0x5: {  	_ = 	snop  }
0x6: {  	_ = 	snop  }
0x7: {  	_ = 	snop  }
__scs_overlays_trampoline_lowered:
0x8: {  	[smem:$0x3FAA] =	sst s0  }
0x9: {  	[smem:$0x3FAB] =	sst s1  }
0xa: {  	[smem:$0x3FAC] =	sst s2  }
0xb: {  	[smem:$0x3FAD] =	sst s3  }
0xc: {  	[smem:$0x3FAE] =	sst s4  }
0xd: {  	[smem:$0x3FAF] =	sst s5  }
0xe: {  	[smem:$0x3FB0] =	sst s6  }
0xf: {  	[smem:$0x3FB1] =	sst s7  }
0x10: {  	[smem:$0x3FB2] =	sst s8  }
0x11: {  	[smem:$0x3FB3] =	sst s9;
	s0 =	simm.s32 @!p0 $0x0  }
0x12: {  	s1 =	sld [smem:$0x3F99];
	s0 =	simm.s32 @p0 $0x1  }
0x13: {  	[smem:$0x3FB4] =	sst s0;
	s0 =	simm.s32 @!p1 $0x0  }
0x14: {  	s2 =	sld [smem:$0x3F98];
	s0 =	simm.s32 @p1 $0x1  }
0x15: {  	[smem:$0x3FB5] =	sst s0;
	s0 =	simm.s32 @!p2 $0x0  }
0x16: {  	s3 =	sld [smem:$0x3FDB];
	s0 =	simm.s32 @p2 $0x1  }
0x17: {  	s4 =	simm.s32 $0x1BF5;
	[smem:$0x3FB7] =	sst s0  }
0x18: {  	s0 =	sld [smem:$0x3F9A];
	_ =	swait.ge [sflag:s4], $0x0  }
0x19: {  	s7 =	sld [smem:$0x3F9B]  }
0x1a: {  	s8 =	sadd.s32 $0xFFFFE003, lr  }
0x1b: {  	s9 =	sadd.s32 $0xFFFFFEF7, lr;
	s5 =	simm.s32 $0xFFFFFFFF;
	p2 =	slt.u32 s8, $0xFFFFF086  }
0x1c: {  	p1 =	slt.u32 s9, $0xF7A;
	s5 =	simm.s32 @!p2 $0x0  }
0x1d: {  	s5 =	simm.s32 @p1 $0x1;
	p0 =	seq.s32 s7, s2  }
0x1e: {  	s7 =	smul.u32 @!p0 $0xF7A, s2;
	p2 =	seq.s32 @!p0 s5, $0x0  }
0x1f: {  	s9 =	smul.u32 $0xF7A, s1;
	s8 =	simm.s32 @!p0 $0x1BF5;
	p2 =	por !p2, p0  }
0x20: {  	[sflag:s8] =	ssyncset.s32 @!p0 $0xFFFFF086;
	s6 =	sadd.s32 @!p0 s3, s7;
	s7 =	simm.s32 @!p0 $0x108  }
0x21: {  	s3 =	sadd.s32 s3, s9;
	s6 =	sadd.s32 @!p0 $0x88, s6;
	s7 =	simm.s32 @p2 $0x1082  }
0x22: {  	[simem:s7], [sflag:s8] =	dma.local @!p0 [hbm:s6], $0xF7A  }
0x23: {  	s9 =	sor.u32 $0xD0000000, s2;
	s6 =	simm.s32 $0x108;
	_ =	swait.ge @!p0 [sflag:s8], $0x0  }
0x24: {  	s3 =	sadd.s32 $0x88, s3;
	s6 =	simm.s32 @!p1 $0x1082;
	[sflag:s4] =	ssyncset.s32 $0xFFFFF086  }
0x25: {  	[simem:s6], [sflag:s4] =	dma.local [hbm:s3], $0xF7A  }
0x26: {  	[smem:$0x3F9B] =	sst s1;
	(tag) =	ssettag s2;
	_ =	strace s9  }
0x27: {  	s1 =	sld [smem:$0x3FAB]  }
0x28: {  	s2 =	sld [smem:$0x3FAC]  }
0x29: {  	s4 =	sld [smem:$0x3FAE]  }
0x2a: {  	p0 =	seq.s32 s5, $0x0;
	s5 =	sld [smem:$0x3FAF]  }
0x2b: {  	s6 =	sld [smem:$0x3FB0]  }
0x2c: {  	s7 =	sld [smem:$0x3FB1]  }
0x2d: {  	s3 =	simm.s32 $0x108;
	s8 =	sld [smem:$0x3FB2]  }
0x2e: {  	s3 =	simm.s32 @!p0 $0x1082;
	s9 =	sld [smem:$0x3FB3]  }
0x2f: {  	lr =	sadd.s32 s0, s3;
	s0 =	sld [smem:$0x3FAA]  }
0x30: {  	s3 =	sld [smem:$0x3FAD]  }
0x31: {  	[smem:$0x3FB6] =	sst s10  }
0x32: {  	s10 =	sld [smem:$0x3FB4];
	_ =	sdelay $0x3  }
0x33: {  	p0 =	seq.s32 s10, $0x1;
	s10 =	sld [smem:$0x3FB6];
	_ =	sdelay $0x3  }
0x34: {  	[smem:$0x3FB6] =	sst s10  }
0x35: {  	s10 =	sld [smem:$0x3FB5];
	_ =	sdelay $0x3  }
0x36: {  	p1 =	seq.s32 s10, $0x1;
	s10 =	sld [smem:$0x3FB6];
	_ =	sdelay $0x3  }
0x37: {  	[smem:$0x3FB6] =	sst s10  }
0x38: {  	s10 =	sld [smem:$0x3FB7]  }
0x39: {  	_ = 	snop;
	(pc) =	sbr.ind lr, $3  }
0x3a: {  	_ = 	snop  }
0x3b: {  	_ = 	snop  }
0x3c: {  	p2 =	seq.s32 s10, $0x1;
	s10 =	sld [smem:$0x3FB6]  }
0x3d: {  	_ =	shalt  }
0x3e: {  	_ =	shalt  }
0x3f: {  	_ =	shalt  }
0x40: {  	_ =	shalt  }
0x41: {  	_ =	shalt  }
0x42: {  	_ =	shalt  }
0x43: {  	_ =	shalt  }
0x44: {  	_ =	shalt  }
0x45: {  	_ =	shalt  }
0x46: {  	_ =	shalt  }
0x47: {  	_ =	shalt  }
0x48: {  	_ =	shalt  }
0x49: {  	_ =	shalt  }
0x4a: {  	_ =	shalt  }
0x4b: {  	_ =	shalt  }
0x4c: {  	_ =	shalt  }
0x4d: {  	_ =	shalt  }
0x4e: {  	_ =	shalt  }
0x4f: {  	_ =	shalt  }
0x50: {  	_ =	shalt  }
0x51: {  	_ =	shalt  }
0x52: {  	_ =	shalt  }
0x53: {  	_ =	shalt  }
0x54: {  	_ =	shalt  }
0x55: {  	_ =	shalt  }
0x56: {  	_ =	shalt  }
0x57: {  	_ =	shalt  }
0x58: {  	_ =	shalt  }
0x59: {  	_ =	shalt  }
0x5a: {  	_ =	shalt  }
0x5b: {  	_ =	shalt  }
0x5c: {  	_ =	shalt  }
0x5d: {  	_ =	shalt  }
0x5e: {  	_ =	shalt  }
0x5f: {  	_ =	shalt  }
0x60: {  	_ =	shalt  }
0x61: {  	_ =	shalt  }
0x62: {  	_ =	shalt  }
0x63: {  	_ =	shalt  }
0x64: {  	_ =	shalt  }
0x65: {  	_ =	shalt  }
0x66: {  	_ =	shalt  }
0x67: {  	_ =	shalt  }
0x68: {  	_ =	shalt  }
0x69: {  	_ =	shalt  }
0x6a: {  	_ =	shalt  }
0x6b: {  	_ =	shalt  }
0x6c: {  	_ =	shalt  }
0x6d: {  	_ =	shalt  }
0x6e: {  	_ =	shalt  }
0x6f: {  	_ =	shalt  }
0x70: {  	_ =	shalt  }
0x71: {  	_ =	shalt  }
0x72: {  	_ =	shalt  }
0x73: {  	_ =	shalt  }
0x74: {  	_ =	shalt  }
0x75: {  	_ =	shalt  }
0x76: {  	_ =	shalt  }
0x77: {  	_ =	shalt  }
0x78: {  	_ =	shalt  }
0x79: {  	_ =	shalt  }
0x7a: {  	_ =	shalt  }
0x7b: {  	_ =	shalt  }
0x7c: {  	_ =	shalt  }
0x7d: {  	_ =	shalt  }
0x7e: {  	_ =	shalt  }
0x7f: {  	_ =	shalt  }
0x80: {  	_ =	shalt  }
0x81: {  	_ =	shalt  }
0x82: {  	_ =	shalt  }
0x83: {  	_ =	shalt  }
0x84: {  	_ =	shalt  }
0x85: {  	_ =	shalt  }
0x86: {  	_ =	shalt  }
0x87: {  	_ =	shalt  }
.Lfunc_end0:
.L_simem_size_0:
called_computation.1_lowered:
.L_overlay_start_0:
0x88: {  	s2 =	sld [smem:$0x3FD9]  }
0x89: {  	s3 =	sld [smem:$0x3FFE];
	_ =	sdelay $0x1  }
0x8a: {  	s1 =	srdreg.scid  }
0x8b: {  	s0 =	sand.u32 $0x1, s1  }
0x8c: {  	s17 =	sshll.u32 s0, $0xA;
	s2 =	sadd.s32 s3, s2  }
0x8d: {  	s2 =	sadd.s32 s2, s17  }
0x8e: {  	[smem:$0x3FC2] =	sst s2  }
0x8f: {  	_ = 	snop  }
0x90: {  	s2 =	sld [smem:$0x3FD0];
	(tm) =	ssettm $0x1  }
0x91: {  	s18 =	sld [smem:$0x3FFB];
	_ =	sdelay $0x3  }
0x92: {  	_ =	strace s18  }
0x93: {  	s3 =	sld [smem:$0x3FFC];
	_ =	sdelay $0x3  }
0x94: {  	_ =	strace s3  }
0x95: {  	s3 =	sld [smem:$0x3FFD];
	_ =	sdelay $0x3  }
0x96: {  	_ =	strace s3  }
0x97: {  	_ =	strace $0x8FFFFFFF  }
0x98: {  	s19 =	sld [smem:$0x3FDB];
	_ =	sdelay $0x1  }
0x99: {  	s4 =	simm.s32 $_scs_section_size  }
0x9a: {  	s5 =	simm.s32 $_size__tile_overlayer_lowered;
	s6 =	simm.s32 $_tile_overlayer_lowered  }
0x9b: {  	s22 =	simm.s32 $0x1BFF;
	s21 =	sshll.u32 s6, $0x1;
	s3 =	sadd.s32 s4, s19  }
0x9c: {  	s7 =	simm.s32 $0x0;
	s20 =	sshll.u32 s5, $0x1;
	s5 =	sadd.s32 s21, s3  }
0x9d: {  	[timem:s7], [sflag:s22] =	dma.local [hbm:s5], s20  }
0x9e: {  	_ =	swait.ge [sflag:s22], s20  }
0x9f: {  	s4 =	ssub.s32 $0x0, s20;
	[sflag:s22] =	ssyncset.done $0x0  }
0xa0: {  	[sflag:s22] =	ssyncadd.s32 s4;
	_ =	sdelay $0x1  }
0xa1: {  	s23 =	simm.s32 $0x1B8B  }
0xa2: {  	_ =	swait.ge [sflag:s23], $0x1  }
0xa3: {  	[sflag:s23] =	ssyncset.done $0x0  }
0xa4: {  	s25 =	simm.s32 $0x1B8E;
	s24 =	sld [smem:$0x3FFE];
	[sflag:s23] =	ssyncadd.s32 $0xFFFFFFFF  }
0xa5: {  	s26 =	simm.s32 $execute0_lowered;
	[smem:$0x3FD2] =	sst s25  }
0xa6: {  	s5 =	sshll.u32 s26, $0x1;
	_ =	strace $0x80000049;
	[dreg:$0x1] =	wrdreg $0xFFFFFFFF  }
0xa7: {  	s28 =	simm.s32 $_size_execute0_lowered;
	s3 =	sadd.s32 s3, s5;
	[dreg:$0x0] =	wrdreg $0x0  }
0xa8: {  	s5 =	sshll.u32 s28, $0x1;
	[dreg:$0x2] =	wrdreg s3  }
0xa9: {  	[dreg:$0x3] =	wrdreg s5  }
0xaa: {  	[dreg:$0x4] =	wrdreg $0xC0  }
0xab: {  	_ =	task [dreg:s7], $0x5FFFF  }
0xac: {  	[dreg:$0x1] =	wrdreg $0xFFFFFFFF  }
0xad: {  	[dreg:$0x0] =	wrdreg $0x60  }
0xae: {  	[dreg:$0x2] =	wrdreg s2  }
0xaf: {  	[dreg:$0x3] =	wrdreg s24  }
0xb0: {  	[dreg:$0x4] =	wrdreg $0x2A000  }
0xb1: {  	[dreg:$0x5] =	wrdreg $0x9  }
0xb2: {  	_ =	task.clear_ibuf [dreg:s7], $0x6FFFF;
	_ =	strace $0x90000049  }
0xb3: {  	s29 =	simm.s32 $0x9;
	_ =	strace $0x8000004B  }
0xb4: {  	_ =	swait.ge [sflag:s29], $0x1  }
0xb5: {  	[sflag:s29] =	ssyncadd.s32 $0xFFFFFFFF  }
0xb6: {  	_ =	strace $0x9000004B  }
0xb7: {  	_ =	sfence  }
0xb8: {  	s30 =	sld [smem:$0x0];
	_ =	sdelay $0x2  }
0xb9: {  	s31 =	sshll.u32 s1, $0xD;
	s1 =	sshrl.u32 s1, $0x2  }
0xba: {  	s3 =	sand.u32 $0x4000, s31;
	s1 =	sadd.s32 s1, s30  }
0xbb: {  	s0 =	sor.u32 s3, s0;
	s1 =	sshll.u32 s1, $0x11  }
0xbc: {  	s0 =	sor.u32 s1, s0  }
0xbd: {  	s0 =	sadd.s32 $0x8F2B, s0  }
0xbe: {  	[sflag:s0] =	ssyncadd.remote.s32 $0x1  }
0xbf: {  	_ =	sfence.sel $0xFFFF  }
0xc0: {  	[dreg:$0x0] =	wrdreg $0xFFFFFFFF;
	(pc) =	sbr.abs _section_cstart, $3  }
0xc1: {  	[dreg:$0x1] =	wrdreg $0xFFFFFFFF  }
0xc2: {  	_ =	task.clear_ibuf [dreg:s7], $0x2FFFF;
	_ =	strace $0x9FFFFFFF  }
0xc3: {  	(tm) =	ssettm $0x7FFFFFFF  }
tec
execute0_lowered:
.L_overlay_start_1:
0x0: {  	(tag) =	ssettag $0x1  }
0x1: {  	s1 =	rddreg [dreg:$0x0]  }
0x2: {  	s0 =	rddreg [dreg:$0x1]  }
0x3: {  	s2 =	rddreg [dreg:$0x2]  }
0x4: {  	s3 =	srdreg.scid;
	s9 =	stileid.u32  }
0x5: {  	s4 =	simm.s32 $0x0;
	s28 =	simm.s32 $0x2;
	s7 =	smul.u32 $0x19000, s9  }
0x6: {  	s29 =	simm.s32 $0x80;
	s30 =	simm.s32 $0x100;
	s6 =	smul.u32 $0x1870, s9  }
0x7: {  	s31 =	simm.s32 $0x1;
	s3 =	sand.u32 $0x1, s3;
	s9 =	smul.u32 $0x64000, s9  }
0x8: {  	[smem:$0x7FF] =	sst s4;
	s23 =	sadd.s32 $0x33C00, s0;
	s5 =	smul.u32 $0x190000, s3  }
0x9: {  	_ =	strace $0x8000004A;
	s8 =	ssub.s32 $0x2, s3;
	p0 =	seq.s32 s3, $0x1  }
0xa: {  	s24 =	sadd.s32 s6, s0;
	s25 =	sshrl.u32 s8, $0x1;
	s1 =	smov.u32 @p0 s23  }
0xb: {  	s5 =	sadd.s32 s7, s5;
	s26 =	ssub.s32 s8, s25;
	s8 =	sshrl.u32 s9, $0x2  }
0xc: {  	s9 =	sadd.s32 s7, s2;
	s23 =	sadd.s32 $0x2C00, s24;
	s24 =	sadd.s32 $0x1B400, s24  }
0xd: {  	s5 =	sshrl.u32 s5, $0x3;
	s6 =	sadd.s32 s8, s2;
	s22 =	smax.u32 s26, $0x1  }
0xe: {  	s0 =	sadd.s32 s5, s0;
	[dreg:$0x5] =	wrdreg s22;
	s25 =	sadd.s32 $0x1900, s6  }
0xf: {  	s26 =	sadd.s32 $0x3200, s6;
	s10 =	sadd.s32 $0x4B00, s6;
	s11 =	sadd.s32 $0x6400, s6  }
0x10: {  	s12 =	sadd.s32 $0x7D00, s6;
	s13 =	sadd.s32 $0x9600, s6;
	s14 =	sadd.s32 $0xAF00, s6  }
0x11: {  	s15 =	sadd.s32 $0xC800, s6;
	s16 =	sadd.s32 $0xE100, s6;
	s17 =	sadd.s32 $0xFA00, s6  }
0x12: {  	s18 =	sadd.s32 $0x11300, s6;
	s19 =	sadd.s32 $0x12C00, s6;
	s20 =	sadd.s32 $0x14500, s6  }
0x13: {  	s21 =	sadd.s32 $0x15E00, s6;
	s22 =	sadd.s32 $0x17700, s6;
	[dreg:$0x6] =	wrdreg s25  }
0x14: {  	s0 =	sadd.s32 $0x64A00, s0;
	[dreg:$0x7] =	wrdreg s26;
	s25 =	sshrl.u32 s9, $0x3  }
0x15: {  	v0 =	vimm.f32 $0.0e+00;
	s26 =	simm.s32 $0x1100;
	[dreg:$0x4] =	wrdreg s0;
	s0 =	simm.s32 $0x0  }
.LBB2_1:
0x16: {  	s3 =	simm.s32 $0x80;
	s5 =	simm.s32 $0x0  }
.LBB2_2:
0x17: {  	p0 =	sne.s32 s3, $0x6380;
	[tilespmem:s5+$0x1100] =	vst v0;
	s7 =	smov.u32 s3;
	s3 =	sadd.s32 $0x80, s3  }
.Ltmp0:
0x18: {  	[tilespmem:s5+$0x1110] =	vst v0;
	(pc) =	sbr.rel @p0 .LBB2_2-.Ltmp0, $2  }
0x19: {  	_ =	sdelay $0x2  }
0x1a: {  	s5 =	sshra.s32 s7, $0x2  }
0x1b: {  	[tilespmem:s5+$0x1100] =	vst v0  }
0x1c: {  	[tilespmem:s5+$0x1110] =	vst v0  }
0x1d: {  	[spmem:s6] =	stream.linear.scatter [tilespmem:s26], [sflag:$0x2], $0x1900, $0x38;
	[tilespmem:$0x1BA00] =	vst v63  }
0x1e: {  	_ =	swait.ge [sflag:s28], $0x1900  }
0x1f: {  	[sflag:s28] =	ssyncset.done $0x0  }
0x20: {  	s3 =	rddreg [dreg:$0x6];
	[sflag:s28] =	ssyncadd.s32 $0xFFFFE700  }
0x21: {  	[spmem:s3] =	stream.linear.scatter [tilespmem:s26], [sflag:$0x2], $0x1900, $0x38;
	[tilespmem:$0x1BA00] =	vst v63  }
0x22: {  	_ =	swait.ge [sflag:s28], $0x1900  }
0x23: {  	[sflag:s28] =	ssyncset.done $0x0  }
0x24: {  	s7 =	rddreg [dreg:$0x7];
	[sflag:s28] =	ssyncadd.s32 $0xFFFFE700  }
0x25: {  	[spmem:s7] =	stream.linear.scatter [tilespmem:s26], [sflag:$0x2], $0x1900, $0x38;
	[tilespmem:$0x1BA00] =	vst v63  }
0x26: {  	_ =	swait.ge [sflag:s28], $0x1900  }
0x27: {  	[sflag:s28] =	ssyncset.done $0x0  }
0x28: {  	[sflag:s28] =	ssyncadd.s32 $0xFFFFE700  }
0x29: {  	[spmem:s10] =	stream.linear.scatter [tilespmem:s26], [sflag:$0x2], $0x1900, $0x38;
	[tilespmem:$0x1BA00] =	vst v63  }
0x2a: {  	_ =	swait.ge [sflag:s28], $0x1900  }
0x2b: {  	[sflag:s28] =	ssyncset.done $0x0  }
0x2c: {  	[sflag:s28] =	ssyncadd.s32 $0xFFFFE700  }
0x2d: {  	[spmem:s11] =	stream.linear.scatter [tilespmem:s26], [sflag:$0x2], $0x1900, $0x38;
	[tilespmem:$0x1BA00] =	vst v63  }
0x2e: {  	_ =	swait.ge [sflag:s28], $0x1900  }
0x2f: {  	[sflag:s28] =	ssyncset.done $0x0  }
0x30: {  	[sflag:s28] =	ssyncadd.s32 $0xFFFFE700  }
0x31: {  	[spmem:s12] =	stream.linear.scatter [tilespmem:s26], [sflag:$0x2], $0x1900, $0x38;
	[tilespmem:$0x1BA00] =	vst v63  }
0x32: {  	_ =	swait.ge [sflag:s28], $0x1900  }
0x33: {  	[sflag:s28] =	ssyncset.done $0x0  }
0x34: {  	[sflag:s28] =	ssyncadd.s32 $0xFFFFE700  }
0x35: {  	[spmem:s13] =	stream.linear.scatter [tilespmem:s26], [sflag:$0x2], $0x1900, $0x38;
	[tilespmem:$0x1BA00] =	vst v63  }
0x36: {  	_ =	swait.ge [sflag:s28], $0x1900  }
0x37: {  	[sflag:s28] =	ssyncset.done $0x0  }
0x38: {  	[sflag:s28] =	ssyncadd.s32 $0xFFFFE700  }
0x39: {  	[spmem:s14] =	stream.linear.scatter [tilespmem:s26], [sflag:$0x2], $0x1900, $0x38;
	[tilespmem:$0x1BA00] =	vst v63  }
0x3a: {  	_ =	swait.ge [sflag:s28], $0x1900  }
0x3b: {  	[sflag:s28] =	ssyncset.done $0x0  }
0x3c: {  	[sflag:s28] =	ssyncadd.s32 $0xFFFFE700  }
0x3d: {  	[spmem:s15] =	stream.linear.scatter [tilespmem:s26], [sflag:$0x2], $0x1900, $0x38;
	[tilespmem:$0x1BA00] =	vst v63  }
0x3e: {  	_ =	swait.ge [sflag:s28], $0x1900  }
0x3f: {  	[sflag:s28] =	ssyncset.done $0x0  }
0x40: {  	[sflag:s28] =	ssyncadd.s32 $0xFFFFE700  }
0x41: {  	[spmem:s16] =	stream.linear.scatter [tilespmem:s26], [sflag:$0x2], $0x1900, $0x38;
	[tilespmem:$0x1BA00] =	vst v63  }
0x42: {  	_ =	swait.ge [sflag:s28], $0x1900  }
0x43: {  	[sflag:s28] =	ssyncset.done $0x0  }
0x44: {  	[sflag:s28] =	ssyncadd.s32 $0xFFFFE700  }
0x45: {  	[spmem:s17] =	stream.linear.scatter [tilespmem:s26], [sflag:$0x2], $0x1900, $0x38;
	[tilespmem:$0x1BA00] =	vst v63  }
0x46: {  	_ =	swait.ge [sflag:s28], $0x1900  }
0x47: {  	[sflag:s28] =	ssyncset.done $0x0  }
0x48: {  	[sflag:s28] =	ssyncadd.s32 $0xFFFFE700  }
0x49: {  	[spmem:s18] =	stream.linear.scatter [tilespmem:s26], [sflag:$0x2], $0x1900, $0x38;
	[tilespmem:$0x1BA00] =	vst v63  }
0x4a: {  	_ =	swait.ge [sflag:s28], $0x1900  }
0x4b: {  	[sflag:s28] =	ssyncset.done $0x0  }
0x4c: {  	[sflag:s28] =	ssyncadd.s32 $0xFFFFE700  }
0x4d: {  	[spmem:s19] =	stream.linear.scatter [tilespmem:s26], [sflag:$0x2], $0x1900, $0x38;
	[tilespmem:$0x1BA00] =	vst v63  }
0x4e: {  	_ =	swait.ge [sflag:s28], $0x1900  }
0x4f: {  	[sflag:s28] =	ssyncset.done $0x0  }
0x50: {  	[sflag:s28] =	ssyncadd.s32 $0xFFFFE700  }
0x51: {  	[spmem:s20] =	stream.linear.scatter [tilespmem:s26], [sflag:$0x2], $0x1900, $0x38;
	[tilespmem:$0x1BA00] =	vst v63  }
0x52: {  	_ =	swait.ge [sflag:s28], $0x1900  }
0x53: {  	[sflag:s28] =	ssyncset.done $0x0  }
0x54: {  	[sflag:s28] =	ssyncadd.s32 $0xFFFFE700  }
0x55: {  	[spmem:s21] =	stream.linear.scatter [tilespmem:s26], [sflag:$0x2], $0x1900, $0x38;
	[tilespmem:$0x1BA00] =	vst v63  }
0x56: {  	_ =	swait.ge [sflag:s28], $0x1900  }
0x57: {  	[sflag:s28] =	ssyncset.done $0x0  }
0x58: {  	[sflag:s28] =	ssyncadd.s32 $0xFFFFE700  }
0x59: {  	[spmem:s22] =	stream.linear.scatter [tilespmem:s26], [sflag:$0x2], $0x1900, $0x38;
	[tilespmem:$0x1BA00] =	vst v63  }
0x5a: {  	_ =	swait.ge [sflag:s28], $0x1900  }
0x5b: {  	[sflag:s28] =	ssyncset.done $0x0  }
0x5c: {  	[sflag:s28] =	ssyncadd.s32 $0xFFFFE700  }
0x5d: {  	s8 =	sadd.s32 $0x0, s24;
	[bflag:$0x0] =	sbarrier.arrive $0xFFFF  }
0x5e: {  	[tilespmem:s4], [sflag:$0x2] =	stream.linear.gather [hbm4b:s8+s4], $0x80, $0x38;
	[tilespmem:$0x1BA00] =	vst v63  }
0x5f: {  	_ =	swait.ge [sflag:s28], $0x80  }
0x60: {  	[sflag:s28] =	ssyncset.done $0x0  }
0x61: {  	s9 =	sadd.s32 $0x0, s23;
	[sflag:s28] =	ssyncadd.s32 $0xFFFFFF80  }
0x62: {  	[tilespmem:s29], [sflag:$0x2] =	stream.linear.gather [hbm4b:s9+s4], $0x80, $0x38;
	[tilespmem:$0x1BA00] =	vst v63  }
0x63: {  	_ =	swait.ge [sflag:s28], $0x80  }
0x64: {  	[sflag:s28] =	ssyncset.done $0x0  }
0x65: {  	[sflag:s28] =	ssyncadd.s32 $0xFFFFFF80  }
0x66: {  	[tilespmem:s30], [sflag:$0x1] =	stream.indirect.gather [hbm4b:s1+s29], $0x20, s4, s29, $0xb8;
	[tilespmem:$0x1BA00] =	vst v63  }
0x67: {  	_ =	swait.ge [sflag:s31], $0x1000  }
0x68: {  	[sflag:s31] =	ssyncset.done $0x0  }
0x69: {  	[sflag:s31] =	ssyncadd.s32 $0xFFFFF000  }
0x6a: {  	[spmem:s2] =	stream.indirect.scatter.add.f32 [tilespmem:s30], [sflag:$0x2], $0x20, s29, s29, $0xb8;
	[tilespmem:$0x1BA00] =	vst v63  }
0x6b: {  	_ =	swait.ge [sflag:s28], $0x1000  }
0x6c: {  	s5 =	simm.s32 $0x20;
	s3 =	simm.s32 $0x10;
	[sflag:s28] =	ssyncset.done $0x0  }
.LBB2_4:
0x6d: {  	s7 =	sadd.s32 s3, s24  }
0x6e: {  	[sflag:s28] =	ssyncadd.s32 $0xFFFFF000;
	s8 =	smov.u32 s5;
	s9 =	sadd.s32 $0x10, s5  }
0x6f: {  	[tilespmem:s4], [sflag:$0x2] =	stream.linear.gather [hbm4b:s7+s4], $0x80, $0x38;
	[tilespmem:$0x1BA00] =	vst v63  }
0x70: {  	p0 =	sne.s32 s5, $0x1860;
	_ =	swait.ge [sflag:s28], $0x80  }
0x71: {  	[sflag:s28] =	ssyncset.done $0x0  }
0x72: {  	s5 =	sadd.s32 s3, s23;
	s3 =	smov.u32 s8;
	[sflag:s28] =	ssyncadd.s32 $0xFFFFFF80  }
0x73: {  	[tilespmem:s29], [sflag:$0x2] =	stream.linear.gather [hbm4b:s5+s4], $0x80, $0x38;
	[tilespmem:$0x1BA00] =	vst v63  }
0x74: {  	_ =	swait.ge [sflag:s28], $0x80  }
0x75: {  	[sflag:s28] =	ssyncset.done $0x0  }
0x76: {  	[sflag:s28] =	ssyncadd.s32 $0xFFFFFF80  }
0x77: {  	[tilespmem:s30], [sflag:$0x1] =	stream.indirect.gather [hbm4b:s1+s29], $0x20, s4, s29, $0xb8;
	[tilespmem:$0x1BA00] =	vst v63  }
0x78: {  	_ =	swait.ge [sflag:s31], $0x1000  }
.Ltmp1:
0x79: {  	[sflag:s31] =	ssyncset.done $0x0;
	(pc) =	sbr.rel @p0 .LBB2_4-.Ltmp1, $4  }
0x7a: {  	[sflag:s31] =	ssyncadd.s32 $0xFFFFF000  }
0x7b: {  	[spmem:s2] =	stream.indirect.scatter.add.f32 [tilespmem:s30], [sflag:$0x2], $0x20, s29, s29, $0xb8;
	[tilespmem:$0x1BA00] =	vst v63  }
0x7c: {  	_ =	swait.ge [sflag:s28], $0x1000  }
0x7d: {  	s5 =	smov.u32 s9;
	[sflag:s28] =	ssyncset.done $0x0  }
0x7e: {  	s5 =	sadd.s32 s3, s24;
	[sflag:s28] =	ssyncadd.s32 $0xFFFFF000  }
0x7f: {  	[tilespmem:s4], [sflag:$0x2] =	stream.linear.gather [hbm4b:s5+s4], $0x80, $0x38;
	[tilespmem:$0x1BA00] =	vst v63  }
0x80: {  	_ =	swait.ge [sflag:s28], $0x80  }
0x81: {  	[sflag:s28] =	ssyncset.done $0x0  }
0x82: {  	s5 =	sadd.s32 s3, s23;
	[sflag:s28] =	ssyncadd.s32 $0xFFFFFF80  }
0x83: {  	[tilespmem:s29], [sflag:$0x2] =	stream.linear.gather [hbm4b:s5+s4], $0x80, $0x38;
	[tilespmem:$0x1BA00] =	vst v63  }
0x84: {  	_ =	swait.ge [sflag:s28], $0x80  }
0x85: {  	[sflag:s28] =	ssyncset.done $0x0  }
0x86: {  	[sflag:s28] =	ssyncadd.s32 $0xFFFFFF80  }
0x87: {  	[tilespmem:s30], [sflag:$0x1] =	stream.indirect.gather [hbm4b:s1+s29], $0x20, s4, s29, $0xb8;
	[tilespmem:$0x1BA00] =	vst v63  }
0x88: {  	_ =	swait.ge [sflag:s31], $0x1000  }
0x89: {  	[sflag:s31] =	ssyncset.done $0x0  }
0x8a: {  	[sflag:s31] =	ssyncadd.s32 $0xFFFFF000  }
0x8b: {  	[spmem:s2] =	stream.indirect.scatter.add.f32 [tilespmem:s30], [sflag:$0x2], $0x20, s29, s29, $0xb8;
	[tilespmem:$0x1BA00] =	vst v63  }
0x8c: {  	_ =	swait.ge [sflag:s28], $0x1000  }
0x8d: {  	[sflag:s28] =	ssyncset.done $0x0  }
0x8e: {  	s7 =	stileid.u32;
	[sflag:s28] =	ssyncadd.s32 $0xFFFFF000  }
0x8f: {  	s3 =	sshll.u32 s7, $0x6;
	[bflag:$0x0] =	sbarrier.arrive $0xFFFF  }
0x90: {  	s3 =	sor.u32 $0x1C02, s3;
	s8 =	rddreg [dreg:$0x4]  }
0x91: {  	[hbm:s8], [sflag:s3] =	dma.local [spmem:s25], $0x3200  }
0x92: {  	_ =	swait.ge [sflag:s28], $0x3200  }
0x93: {  	s0 =	sadd.s32 $0x1, s0;
	s9 =	rddreg [dreg:$0x5]  }
0x94: {  	p0 =	sne.s32 s0, s9  }
.Ltmp2:
0x95: {  	_ = 	snop;
	(pc) =	sbr.rel @p0 .LBB2_1-.Ltmp2, $3  }
0x96: {  	_ =	sdelay $0x1  }
0x97: {  	[sflag:s28] =	ssyncset.done $0x0  }
0x98: {  	[sflag:s28] =	ssyncadd.s32 $0xFFFFCE00  }
0x99: {  	_ =	sfence.sel $0x180000  }
0x9a: {  	[bflag:$0x0] =	sbarrier.arrive $0xFFFF  }
0x9b: {  	_ =	strace $0x9000004A  }
0x9c: {  	s0 =	stileid.u32;
	[bflag:$0x2] =	sbarrier.arrive $0xFFFF  }
0x9d: {  	p0 =	sne.s32 s0, $0x0;
	s0 =	rddreg [dreg:$0x3]  }
0x9e: {  	s0 =	sadd.s32 @!p0 $0x100000, s0  }
0x9f: {  	[sflag:s0] =	ssyncadd.tile.s32 @!p0 $0x1;
	_ =	shalt  }
.Lfunc_end2:
_tile_overlayer_lowered:
.L_overlay_start_2:
0xa0: {  	(tag) =	ssettag $0x2  }
0xa1: {  	s0 =	rddreg [dreg:$0x0];
	s2 =	stileid.u32  }
0xa2: {  	s1 =	rddreg [dreg:$0x1];
	p0 =	sne.s32 s2, $0x0  }
0xa3: {  	s3 =	rddreg [dreg:$0x2];
	[bflag:$0x3] =	sbarrier.arrive $0xFFFF;
	s2 =	simm.s32 @!p0 $0x1C02  }
0xa4: {  	[timem:s3], [sflag:s2] =	dma.local @!p0 [hbm:s0], s1  }
0xa5: {  	s0 =	simm.s32 @!p0 $0x2  }
0xa6: {  	_ =	swait.ge @!p0 [sflag:s0], s1  }
0xa7: {  	s1 =	ssub.s32 @!p0 $0x0, s1;
	[sflag:s0] =	ssyncset.done @!p0 $0x0  }
0xa8: {  	[sflag:s0] =	ssyncadd.s32 @!p0 s1  }
0xa9: {  	[bflag:$0x3] =	sbarrier.arrive $0xFFFF  }
0xaa: {  	_ =	shalt  }

// kernel: kernel.14.cloned.1.call-start
scs
__scs_entry_jumppad:
0x0: {  	(pc) =	sbr.rel $0x88, $3  }
0x1: {  	(tag) =	ssettag $0x0;
	lr =	simm.s32 $0x1  }
0x2: {  	[smem:$0x3F9B] =	sst lr;
	_ =	strace $0xD0000000  }
0x3: {  	_ = 	snop  }
0x4: {  	_ = 	snop  }
0x5: {  	_ = 	snop  }
0x6: {  	_ = 	snop  }
0x7: {  	_ = 	snop  }
__scs_overlays_trampoline_lowered:
0x8: {  	[smem:$0x3FAA] =	sst s0  }
0x9: {  	[smem:$0x3FAB] =	sst s1  }
0xa: {  	[smem:$0x3FAC] =	sst s2  }
0xb: {  	[smem:$0x3FAD] =	sst s3  }
0xc: {  	[smem:$0x3FAE] =	sst s4  }
0xd: {  	[smem:$0x3FAF] =	sst s5  }
0xe: {  	[smem:$0x3FB0] =	sst s6  }
0xf: {  	[smem:$0x3FB1] =	sst s7  }
0x10: {  	[smem:$0x3FB2] =	sst s8  }
0x11: {  	[smem:$0x3FB3] =	sst s9;
	s0 =	simm.s32 @!p0 $0x0  }
0x12: {  	s1 =	sld [smem:$0x3F99];
	s0 =	simm.s32 @p0 $0x1  }
0x13: {  	[smem:$0x3FB4] =	sst s0;
	s0 =	simm.s32 @!p1 $0x0  }
0x14: {  	s2 =	sld [smem:$0x3F98];
	s0 =	simm.s32 @p1 $0x1  }
0x15: {  	[smem:$0x3FB5] =	sst s0;
	s0 =	simm.s32 @!p2 $0x0  }
0x16: {  	s3 =	sld [smem:$0x3FDB];
	s0 =	simm.s32 @p2 $0x1  }
0x17: {  	s4 =	simm.s32 $0x1BF5;
	[smem:$0x3FB7] =	sst s0  }
0x18: {  	s0 =	sld [smem:$0x3F9A];
	_ =	swait.ge [sflag:s4], $0x0  }
0x19: {  	s7 =	sld [smem:$0x3F9B]  }
0x1a: {  	s8 =	sadd.s32 $0xFFFFE003, lr  }
0x1b: {  	s9 =	sadd.s32 $0xFFFFFEF7, lr;
	s5 =	simm.s32 $0xFFFFFFFF;
	p2 =	slt.u32 s8, $0xFFFFF086  }
0x1c: {  	p1 =	slt.u32 s9, $0xF7A;
	s5 =	simm.s32 @!p2 $0x0  }
0x1d: {  	s5 =	simm.s32 @p1 $0x1;
	p0 =	seq.s32 s7, s2  }
0x1e: {  	s7 =	smul.u32 @!p0 $0xF7A, s2;
	p2 =	seq.s32 @!p0 s5, $0x0  }
0x1f: {  	s9 =	smul.u32 $0xF7A, s1;
	s8 =	simm.s32 @!p0 $0x1BF5;
	p2 =	por !p2, p0  }
0x20: {  	[sflag:s8] =	ssyncset.s32 @!p0 $0xFFFFF086;
	s6 =	sadd.s32 @!p0 s3, s7;
	s7 =	simm.s32 @!p0 $0x108  }
0x21: {  	s3 =	sadd.s32 s3, s9;
	s6 =	sadd.s32 @!p0 $0x88, s6;
	s7 =	simm.s32 @p2 $0x1082  }
0x22: {  	[simem:s7], [sflag:s8] =	dma.local @!p0 [hbm:s6], $0xF7A  }
0x23: {  	s9 =	sor.u32 $0xD0000000, s2;
	s6 =	simm.s32 $0x108;
	_ =	swait.ge @!p0 [sflag:s8], $0x0  }
0x24: {  	s3 =	sadd.s32 $0x88, s3;
	s6 =	simm.s32 @!p1 $0x1082;
	[sflag:s4] =	ssyncset.s32 $0xFFFFF086  }
0x25: {  	[simem:s6], [sflag:s4] =	dma.local [hbm:s3], $0xF7A  }
0x26: {  	[smem:$0x3F9B] =	sst s1;
	(tag) =	ssettag s2;
	_ =	strace s9  }
0x27: {  	s1 =	sld [smem:$0x3FAB]  }
0x28: {  	s2 =	sld [smem:$0x3FAC]  }
0x29: {  	s4 =	sld [smem:$0x3FAE]  }
0x2a: {  	p0 =	seq.s32 s5, $0x0;
	s5 =	sld [smem:$0x3FAF]  }
0x2b: {  	s6 =	sld [smem:$0x3FB0]  }
0x2c: {  	s7 =	sld [smem:$0x3FB1]  }
0x2d: {  	s3 =	simm.s32 $0x108;
	s8 =	sld [smem:$0x3FB2]  }
0x2e: {  	s3 =	simm.s32 @!p0 $0x1082;
	s9 =	sld [smem:$0x3FB3]  }
0x2f: {  	lr =	sadd.s32 s0, s3;
	s0 =	sld [smem:$0x3FAA]  }
0x30: {  	s3 =	sld [smem:$0x3FAD]  }
0x31: {  	[smem:$0x3FB6] =	sst s10  }
0x32: {  	s10 =	sld [smem:$0x3FB4];
	_ =	sdelay $0x3  }
0x33: {  	p0 =	seq.s32 s10, $0x1;
	s10 =	sld [smem:$0x3FB6];
	_ =	sdelay $0x3  }
0x34: {  	[smem:$0x3FB6] =	sst s10  }
0x35: {  	s10 =	sld [smem:$0x3FB5];
	_ =	sdelay $0x3  }
0x36: {  	p1 =	seq.s32 s10, $0x1;
	s10 =	sld [smem:$0x3FB6];
	_ =	sdelay $0x3  }
0x37: {  	[smem:$0x3FB6] =	sst s10  }
0x38: {  	s10 =	sld [smem:$0x3FB7]  }
0x39: {  	_ = 	snop;
	(pc) =	sbr.ind lr, $3  }
0x3a: {  	_ = 	snop  }
0x3b: {  	_ = 	snop  }
0x3c: {  	p2 =	seq.s32 s10, $0x1;
	s10 =	sld [smem:$0x3FB6]  }
0x3d: {  	_ =	shalt  }
0x3e: {  	_ =	shalt  }
0x3f: {  	_ =	shalt  }
0x40: {  	_ =	shalt  }
0x41: {  	_ =	shalt  }
0x42: {  	_ =	shalt  }
0x43: {  	_ =	shalt  }
0x44: {  	_ =	shalt  }
0x45: {  	_ =	shalt  }
0x46: {  	_ =	shalt  }
0x47: {  	_ =	shalt  }
0x48: {  	_ =	shalt  }
0x49: {  	_ =	shalt  }
0x4a: {  	_ =	shalt  }
0x4b: {  	_ =	shalt  }
0x4c: {  	_ =	shalt  }
0x4d: {  	_ =	shalt  }
0x4e: {  	_ =	shalt  }
0x4f: {  	_ =	shalt  }
0x50: {  	_ =	shalt  }
0x51: {  	_ =	shalt  }
0x52: {  	_ =	shalt  }
0x53: {  	_ =	shalt  }
0x54: {  	_ =	shalt  }
0x55: {  	_ =	shalt  }
0x56: {  	_ =	shalt  }
0x57: {  	_ =	shalt  }
0x58: {  	_ =	shalt  }
0x59: {  	_ =	shalt  }
0x5a: {  	_ =	shalt  }
0x5b: {  	_ =	shalt  }
0x5c: {  	_ =	shalt  }
0x5d: {  	_ =	shalt  }
0x5e: {  	_ =	shalt  }
0x5f: {  	_ =	shalt  }
0x60: {  	_ =	shalt  }
0x61: {  	_ =	shalt  }
0x62: {  	_ =	shalt  }
0x63: {  	_ =	shalt  }
0x64: {  	_ =	shalt  }
0x65: {  	_ =	shalt  }
0x66: {  	_ =	shalt  }
0x67: {  	_ =	shalt  }
0x68: {  	_ =	shalt  }
0x69: {  	_ =	shalt  }
0x6a: {  	_ =	shalt  }
0x6b: {  	_ =	shalt  }
0x6c: {  	_ =	shalt  }
0x6d: {  	_ =	shalt  }
0x6e: {  	_ =	shalt  }
0x6f: {  	_ =	shalt  }
0x70: {  	_ =	shalt  }
0x71: {  	_ =	shalt  }
0x72: {  	_ =	shalt  }
0x73: {  	_ =	shalt  }
0x74: {  	_ =	shalt  }
0x75: {  	_ =	shalt  }
0x76: {  	_ =	shalt  }
0x77: {  	_ =	shalt  }
0x78: {  	_ =	shalt  }
0x79: {  	_ =	shalt  }
0x7a: {  	_ =	shalt  }
0x7b: {  	_ =	shalt  }
0x7c: {  	_ =	shalt  }
0x7d: {  	_ =	shalt  }
0x7e: {  	_ =	shalt  }
0x7f: {  	_ =	shalt  }
0x80: {  	_ =	shalt  }
0x81: {  	_ =	shalt  }
0x82: {  	_ =	shalt  }
0x83: {  	_ =	shalt  }
0x84: {  	_ =	shalt  }
0x85: {  	_ =	shalt  }
0x86: {  	_ =	shalt  }
0x87: {  	_ =	shalt  }
.Lfunc_end0:
.L_simem_size_0:
called_computation.2_lowered:
.L_overlay_start_0:
0x88: {  	s2 =	sld [smem:$0x3FD9]  }
0x89: {  	s3 =	sld [smem:$0x3FFE];
	_ =	sdelay $0x1  }
0x8a: {  	s1 =	srdreg.scid  }
0x8b: {  	s0 =	sand.u32 $0x1, s1  }
0x8c: {  	s17 =	sshll.u32 s0, $0xA;
	s2 =	sadd.s32 s3, s2  }
0x8d: {  	s2 =	sadd.s32 s2, s17  }
0x8e: {  	[smem:$0x3FC2] =	sst s2  }
0x8f: {  	_ = 	snop  }
0x90: {  	s2 =	sld [smem:$0x3FD0];
	(tm) =	ssettm $0x1  }
0x91: {  	s18 =	sld [smem:$0x3FFB];
	_ =	sdelay $0x3  }
0x92: {  	_ =	strace s18  }
0x93: {  	s3 =	sld [smem:$0x3FFC];
	_ =	sdelay $0x3  }
0x94: {  	_ =	strace s3  }
0x95: {  	s3 =	sld [smem:$0x3FFD];
	_ =	sdelay $0x3  }
0x96: {  	_ =	strace s3  }
0x97: {  	_ =	strace $0x8FFFFFFF  }
0x98: {  	s19 =	sld [smem:$0x3FDB];
	_ =	sdelay $0x1  }
0x99: {  	s4 =	simm.s32 $_scs_section_size  }
0x9a: {  	s5 =	simm.s32 $_size__tile_overlayer_lowered;
	s6 =	simm.s32 $_tile_overlayer_lowered  }
0x9b: {  	s22 =	simm.s32 $0x1BFF;
	s21 =	sshll.u32 s6, $0x1;
	s3 =	sadd.s32 s4, s19  }
0x9c: {  	s7 =	simm.s32 $0x0;
	s20 =	sshll.u32 s5, $0x1;
	s5 =	sadd.s32 s21, s3  }
0x9d: {  	[timem:s7], [sflag:s22] =	dma.local [hbm:s5], s20  }
0x9e: {  	_ =	swait.ge [sflag:s22], s20  }
0x9f: {  	s4 =	ssub.s32 $0x0, s20;
	[sflag:s22] =	ssyncset.done $0x0  }
0xa0: {  	[sflag:s22] =	ssyncadd.s32 s4;
	_ =	sdelay $0x1  }
0xa1: {  	s23 =	simm.s32 $0x1B8B  }
0xa2: {  	_ =	swait.ge [sflag:s23], $0x1  }
0xa3: {  	[sflag:s23] =	ssyncset.done $0x0  }
0xa4: {  	s25 =	simm.s32 $0x1B8E;
	s24 =	sld [smem:$0x3FFE];
	[sflag:s23] =	ssyncadd.s32 $0xFFFFFFFF  }
0xa5: {  	s26 =	simm.s32 $execute0_lowered;
	[smem:$0x3FD2] =	sst s25  }
0xa6: {  	s5 =	sshll.u32 s26, $0x1;
	_ =	strace $0x8000004C;
	[dreg:$0x1] =	wrdreg $0xFFFFFFFF  }
0xa7: {  	s28 =	simm.s32 $_size_execute0_lowered;
	s3 =	sadd.s32 s3, s5;
	[dreg:$0x0] =	wrdreg $0x0  }
0xa8: {  	s5 =	sshll.u32 s28, $0x1;
	[dreg:$0x2] =	wrdreg s3  }
0xa9: {  	[dreg:$0x3] =	wrdreg s5  }
0xaa: {  	[dreg:$0x4] =	wrdreg $0xC0  }
0xab: {  	_ =	task [dreg:s7], $0x5FFFF  }
0xac: {  	[dreg:$0x1] =	wrdreg $0xFFFFFFFF  }
0xad: {  	[dreg:$0x0] =	wrdreg $0x60  }
0xae: {  	[dreg:$0x2] =	wrdreg s2  }
0xaf: {  	[dreg:$0x3] =	wrdreg s24  }
0xb0: {  	[dreg:$0x4] =	wrdreg $0x2A000  }
0xb1: {  	[dreg:$0x5] =	wrdreg $0x9  }
0xb2: {  	_ =	task.clear_ibuf [dreg:s7], $0x6FFFF;
	_ =	strace $0x9000004C  }
0xb3: {  	s29 =	simm.s32 $0x9;
	_ =	strace $0x8000004E  }
0xb4: {  	_ =	swait.ge [sflag:s29], $0x1  }
0xb5: {  	[sflag:s29] =	ssyncadd.s32 $0xFFFFFFFF  }
0xb6: {  	_ =	strace $0x9000004E  }
0xb7: {  	_ =	sfence  }
0xb8: {  	s30 =	sld [smem:$0x0];
	_ =	sdelay $0x2  }
0xb9: {  	s31 =	sshll.u32 s1, $0xD;
	s1 =	sshrl.u32 s1, $0x2  }
0xba: {  	s3 =	sand.u32 $0x4000, s31;
	s1 =	sadd.s32 s1, s30  }
0xbb: {  	s0 =	sor.u32 s3, s0;
	s1 =	sshll.u32 s1, $0x11  }
0xbc: {  	s0 =	sor.u32 s1, s0  }
0xbd: {  	s0 =	sadd.s32 $0x8F2B, s0  }
0xbe: {  	[sflag:s0] =	ssyncadd.remote.s32 $0x1  }
0xbf: {  	_ =	sfence.sel $0xFFFF  }
0xc0: {  	[dreg:$0x0] =	wrdreg $0xFFFFFFFF;
	(pc) =	sbr.abs _section_cstart, $3  }
0xc1: {  	[dreg:$0x1] =	wrdreg $0xFFFFFFFF  }
0xc2: {  	_ =	task.clear_ibuf [dreg:s7], $0x2FFFF;
	_ =	strace $0x9FFFFFFF  }
0xc3: {  	(tm) =	ssettm $0x7FFFFFFF  }
tec
execute0_lowered:
.L_overlay_start_1:
0x0: {  	(tag) =	ssettag $0x1  }
0x1: {  	s1 =	rddreg [dreg:$0x0]  }
0x2: {  	s0 =	rddreg [dreg:$0x1]  }
0x3: {  	s2 =	rddreg [dreg:$0x2];
	s4 =	simm.s32 $0x0;
	s9 =	stileid.u32  }
0x4: {  	s3 =	srdreg.scid;
	s28 =	simm.s32 $0x2;
	s7 =	smul.u32 $0x19000, s9  }
0x5: {  	s29 =	simm.s32 $0x80;
	s30 =	simm.s32 $0x100;
	s6 =	smul.u32 $0x1870, s9  }
0x6: {  	s31 =	simm.s32 $0x1;
	s3 =	sand.u32 $0x1, s3;
	s9 =	smul.u32 $0x64000, s9  }
0x7: {  	[smem:$0x7FF] =	sst s4;
	s23 =	sadd.s32 $0x1BA800, s0;
	s5 =	smul.u32 $0x190000, s3  }
0x8: {  	_ =	strace $0x8000004D;
	s8 =	ssub.s32 $0x2, s3;
	p0 =	seq.s32 s3, $0x1  }
0x9: {  	s24 =	sadd.s32 s6, s0;
	s25 =	sshrl.u32 s8, $0x1;
	s1 =	smov.u32 @p0 s23  }
0xa: {  	s5 =	sadd.s32 s7, s5;
	s26 =	ssub.s32 s8, s25;
	s8 =	sshrl.u32 s9, $0x2  }
0xb: {  	s9 =	sadd.s32 s7, s2;
	s23 =	sadd.s32 $0x2C00, s24;
	s24 =	sadd.s32 $0x1B400, s24  }
0xc: {  	s5 =	sshrl.u32 s5, $0x3;
	s6 =	sadd.s32 s8, s2;
	s22 =	smax.u32 s26, $0x1  }
0xd: {  	s0 =	sadd.s32 s5, s0;
	[dreg:$0x5] =	wrdreg s22;
	s25 =	sadd.s32 $0x1900, s6  }
0xe: {  	s26 =	sadd.s32 $0x3200, s6;
	s10 =	sadd.s32 $0x4B00, s6;
	s11 =	sadd.s32 $0x6400, s6  }
0xf: {  	s12 =	sadd.s32 $0x7D00, s6;
	s13 =	sadd.s32 $0x9600, s6;
	s14 =	sadd.s32 $0xAF00, s6  }
0x10: {  	s15 =	sadd.s32 $0xC800, s6;
	s16 =	sadd.s32 $0xE100, s6;
	s17 =	sadd.s32 $0xFA00, s6  }
0x11: {  	s18 =	sadd.s32 $0x11300, s6;
	s19 =	sadd.s32 $0x12C00, s6;
	s20 =	sadd.s32 $0x14500, s6  }
0x12: {  	s21 =	sadd.s32 $0x15E00, s6;
	s22 =	sadd.s32 $0x17700, s6;
	[dreg:$0x6] =	wrdreg s25  }
0x13: {  	s0 =	sadd.s32 $0x1EB600, s0;
	[dreg:$0x7] =	wrdreg s26;
	s25 =	sshrl.u32 s9, $0x3  }
0x14: {  	v0 =	vimm.f32 $0.0e+00;
	s26 =	simm.s32 $0x1100;
	[dreg:$0x4] =	wrdreg s0;
	s0 =	simm.s32 $0x0  }
.LBB2_1:
0x15: {  	s3 =	simm.s32 $0x80;
	s5 =	simm.s32 $0x0  }
.LBB2_2:
0x16: {  	p0 =	sne.s32 s3, $0x6380;
	[tilespmem:s5+$0x1100] =	vst v0;
	s7 =	smov.u32 s3;
	s3 =	sadd.s32 $0x80, s3  }
.Ltmp0:
0x17: {  	[tilespmem:s5+$0x1110] =	vst v0;
	(pc) =	sbr.rel @p0 .LBB2_2-.Ltmp0, $2  }
0x18: {  	_ =	sdelay $0x2  }
0x19: {  	s5 =	sshra.s32 s7, $0x2  }
0x1a: {  	[tilespmem:s5+$0x1100] =	vst v0  }
0x1b: {  	[tilespmem:s5+$0x1110] =	vst v0  }
0x1c: {  	[spmem:s6] =	stream.linear.scatter [tilespmem:s26], [sflag:$0x2], $0x1900, $0x38;
	[tilespmem:$0x1BA00] =	vst v63  }
0x1d: {  	_ =	swait.ge [sflag:s28], $0x1900  }
0x1e: {  	[sflag:s28] =	ssyncset.done $0x0  }
0x1f: {  	s3 =	rddreg [dreg:$0x6];
	[sflag:s28] =	ssyncadd.s32 $0xFFFFE700  }
0x20: {  	[spmem:s3] =	stream.linear.scatter [tilespmem:s26], [sflag:$0x2], $0x1900, $0x38;
	[tilespmem:$0x1BA00] =	vst v63  }
0x21: {  	_ =	swait.ge [sflag:s28], $0x1900  }
0x22: {  	[sflag:s28] =	ssyncset.done $0x0  }
0x23: {  	s7 =	rddreg [dreg:$0x7];
	[sflag:s28] =	ssyncadd.s32 $0xFFFFE700  }
0x24: {  	[spmem:s7] =	stream.linear.scatter [tilespmem:s26], [sflag:$0x2], $0x1900, $0x38;
	[tilespmem:$0x1BA00] =	vst v63  }
0x25: {  	_ =	swait.ge [sflag:s28], $0x1900  }
0x26: {  	[sflag:s28] =	ssyncset.done $0x0  }
0x27: {  	[sflag:s28] =	ssyncadd.s32 $0xFFFFE700  }
0x28: {  	[spmem:s10] =	stream.linear.scatter [tilespmem:s26], [sflag:$0x2], $0x1900, $0x38;
	[tilespmem:$0x1BA00] =	vst v63  }
0x29: {  	_ =	swait.ge [sflag:s28], $0x1900  }
0x2a: {  	[sflag:s28] =	ssyncset.done $0x0  }
0x2b: {  	[sflag:s28] =	ssyncadd.s32 $0xFFFFE700  }
0x2c: {  	[spmem:s11] =	stream.linear.scatter [tilespmem:s26], [sflag:$0x2], $0x1900, $0x38;
	[tilespmem:$0x1BA00] =	vst v63  }
0x2d: {  	_ =	swait.ge [sflag:s28], $0x1900  }
0x2e: {  	[sflag:s28] =	ssyncset.done $0x0  }
0x2f: {  	[sflag:s28] =	ssyncadd.s32 $0xFFFFE700  }
0x30: {  	[spmem:s12] =	stream.linear.scatter [tilespmem:s26], [sflag:$0x2], $0x1900, $0x38;
	[tilespmem:$0x1BA00] =	vst v63  }
0x31: {  	_ =	swait.ge [sflag:s28], $0x1900  }
0x32: {  	[sflag:s28] =	ssyncset.done $0x0  }
0x33: {  	[sflag:s28] =	ssyncadd.s32 $0xFFFFE700  }
0x34: {  	[spmem:s13] =	stream.linear.scatter [tilespmem:s26], [sflag:$0x2], $0x1900, $0x38;
	[tilespmem:$0x1BA00] =	vst v63  }
0x35: {  	_ =	swait.ge [sflag:s28], $0x1900  }
0x36: {  	[sflag:s28] =	ssyncset.done $0x0  }
0x37: {  	[sflag:s28] =	ssyncadd.s32 $0xFFFFE700  }
0x38: {  	[spmem:s14] =	stream.linear.scatter [tilespmem:s26], [sflag:$0x2], $0x1900, $0x38;
	[tilespmem:$0x1BA00] =	vst v63  }
0x39: {  	_ =	swait.ge [sflag:s28], $0x1900  }
0x3a: {  	[sflag:s28] =	ssyncset.done $0x0  }
0x3b: {  	[sflag:s28] =	ssyncadd.s32 $0xFFFFE700  }
0x3c: {  	[spmem:s15] =	stream.linear.scatter [tilespmem:s26], [sflag:$0x2], $0x1900, $0x38;
	[tilespmem:$0x1BA00] =	vst v63  }
0x3d: {  	_ =	swait.ge [sflag:s28], $0x1900  }
0x3e: {  	[sflag:s28] =	ssyncset.done $0x0  }
0x3f: {  	[sflag:s28] =	ssyncadd.s32 $0xFFFFE700  }
0x40: {  	[spmem:s16] =	stream.linear.scatter [tilespmem:s26], [sflag:$0x2], $0x1900, $0x38;
	[tilespmem:$0x1BA00] =	vst v63  }
0x41: {  	_ =	swait.ge [sflag:s28], $0x1900  }
0x42: {  	[sflag:s28] =	ssyncset.done $0x0  }
0x43: {  	[sflag:s28] =	ssyncadd.s32 $0xFFFFE700  }
0x44: {  	[spmem:s17] =	stream.linear.scatter [tilespmem:s26], [sflag:$0x2], $0x1900, $0x38;
	[tilespmem:$0x1BA00] =	vst v63  }
0x45: {  	_ =	swait.ge [sflag:s28], $0x1900  }
0x46: {  	[sflag:s28] =	ssyncset.done $0x0  }
0x47: {  	[sflag:s28] =	ssyncadd.s32 $0xFFFFE700  }
0x48: {  	[spmem:s18] =	stream.linear.scatter [tilespmem:s26], [sflag:$0x2], $0x1900, $0x38;
	[tilespmem:$0x1BA00] =	vst v63  }
0x49: {  	_ =	swait.ge [sflag:s28], $0x1900  }
0x4a: {  	[sflag:s28] =	ssyncset.done $0x0  }
0x4b: {  	[sflag:s28] =	ssyncadd.s32 $0xFFFFE700  }
0x4c: {  	[spmem:s19] =	stream.linear.scatter [tilespmem:s26], [sflag:$0x2], $0x1900, $0x38;
	[tilespmem:$0x1BA00] =	vst v63  }
0x4d: {  	_ =	swait.ge [sflag:s28], $0x1900  }
0x4e: {  	[sflag:s28] =	ssyncset.done $0x0  }
0x4f: {  	[sflag:s28] =	ssyncadd.s32 $0xFFFFE700  }
0x50: {  	[spmem:s20] =	stream.linear.scatter [tilespmem:s26], [sflag:$0x2], $0x1900, $0x38;
	[tilespmem:$0x1BA00] =	vst v63  }
0x51: {  	_ =	swait.ge [sflag:s28], $0x1900  }
0x52: {  	[sflag:s28] =	ssyncset.done $0x0  }
0x53: {  	[sflag:s28] =	ssyncadd.s32 $0xFFFFE700  }
0x54: {  	[spmem:s21] =	stream.linear.scatter [tilespmem:s26], [sflag:$0x2], $0x1900, $0x38;
	[tilespmem:$0x1BA00] =	vst v63  }
0x55: {  	_ =	swait.ge [sflag:s28], $0x1900  }
0x56: {  	[sflag:s28] =	ssyncset.done $0x0  }
0x57: {  	[sflag:s28] =	ssyncadd.s32 $0xFFFFE700  }
0x58: {  	[spmem:s22] =	stream.linear.scatter [tilespmem:s26], [sflag:$0x2], $0x1900, $0x38;
	[tilespmem:$0x1BA00] =	vst v63  }
0x59: {  	_ =	swait.ge [sflag:s28], $0x1900  }
0x5a: {  	[sflag:s28] =	ssyncset.done $0x0  }
0x5b: {  	[sflag:s28] =	ssyncadd.s32 $0xFFFFE700  }
0x5c: {  	s8 =	sadd.s32 $0x0, s24;
	[bflag:$0x0] =	sbarrier.arrive $0xFFFF  }
0x5d: {  	[tilespmem:s4], [sflag:$0x2] =	stream.linear.gather [hbm4b:s8+s4], $0x80, $0x38;
	[tilespmem:$0x1BA00] =	vst v63  }
0x5e: {  	_ =	swait.ge [sflag:s28], $0x80  }
0x5f: {  	[sflag:s28] =	ssyncset.done $0x0  }
0x60: {  	s9 =	sadd.s32 $0x0, s23;
	[sflag:s28] =	ssyncadd.s32 $0xFFFFFF80  }
0x61: {  	[tilespmem:s29], [sflag:$0x2] =	stream.linear.gather [hbm4b:s9+s4], $0x80, $0x38;
	[tilespmem:$0x1BA00] =	vst v63  }
0x62: {  	_ =	swait.ge [sflag:s28], $0x80  }
0x63: {  	[sflag:s28] =	ssyncset.done $0x0  }
0x64: {  	[sflag:s28] =	ssyncadd.s32 $0xFFFFFF80  }
0x65: {  	[tilespmem:s30], [sflag:$0x1] =	stream.indirect.gather [hbm4b:s1+s29], $0x20, s4, s29, $0xb8;
	[tilespmem:$0x1BA00] =	vst v63  }
0x66: {  	_ =	swait.ge [sflag:s31], $0x1000  }
0x67: {  	[sflag:s31] =	ssyncset.done $0x0  }
0x68: {  	[sflag:s31] =	ssyncadd.s32 $0xFFFFF000  }
0x69: {  	[spmem:s2] =	stream.indirect.scatter.add.f32 [tilespmem:s30], [sflag:$0x2], $0x20, s29, s29, $0xb8;
	[tilespmem:$0x1BA00] =	vst v63  }
0x6a: {  	_ =	swait.ge [sflag:s28], $0x1000  }
0x6b: {  	s5 =	simm.s32 $0x20;
	s3 =	simm.s32 $0x10;
	[sflag:s28] =	ssyncset.done $0x0  }
.LBB2_4:
0x6c: {  	s7 =	sadd.s32 s3, s24  }
0x6d: {  	[sflag:s28] =	ssyncadd.s32 $0xFFFFF000;
	s8 =	smov.u32 s5;
	s9 =	sadd.s32 $0x10, s5  }
0x6e: {  	[tilespmem:s4], [sflag:$0x2] =	stream.linear.gather [hbm4b:s7+s4], $0x80, $0x38;
	[tilespmem:$0x1BA00] =	vst v63  }
0x6f: {  	p0 =	sne.s32 s5, $0x1860;
	_ =	swait.ge [sflag:s28], $0x80  }
0x70: {  	[sflag:s28] =	ssyncset.done $0x0  }
0x71: {  	s5 =	sadd.s32 s3, s23;
	s3 =	smov.u32 s8;
	[sflag:s28] =	ssyncadd.s32 $0xFFFFFF80  }
0x72: {  	[tilespmem:s29], [sflag:$0x2] =	stream.linear.gather [hbm4b:s5+s4], $0x80, $0x38;
	[tilespmem:$0x1BA00] =	vst v63  }
0x73: {  	_ =	swait.ge [sflag:s28], $0x80  }
0x74: {  	[sflag:s28] =	ssyncset.done $0x0  }
0x75: {  	[sflag:s28] =	ssyncadd.s32 $0xFFFFFF80  }
0x76: {  	[tilespmem:s30], [sflag:$0x1] =	stream.indirect.gather [hbm4b:s1+s29], $0x20, s4, s29, $0xb8;
	[tilespmem:$0x1BA00] =	vst v63  }
0x77: {  	_ =	swait.ge [sflag:s31], $0x1000  }
.Ltmp1:
0x78: {  	[sflag:s31] =	ssyncset.done $0x0;
	(pc) =	sbr.rel @p0 .LBB2_4-.Ltmp1, $4  }
0x79: {  	[sflag:s31] =	ssyncadd.s32 $0xFFFFF000  }
0x7a: {  	[spmem:s2] =	stream.indirect.scatter.add.f32 [tilespmem:s30], [sflag:$0x2], $0x20, s29, s29, $0xb8;
	[tilespmem:$0x1BA00] =	vst v63  }
0x7b: {  	_ =	swait.ge [sflag:s28], $0x1000  }
0x7c: {  	s5 =	smov.u32 s9;
	[sflag:s28] =	ssyncset.done $0x0  }
0x7d: {  	s5 =	sadd.s32 s3, s24;
	[sflag:s28] =	ssyncadd.s32 $0xFFFFF000  }
0x7e: {  	[tilespmem:s4], [sflag:$0x2] =	stream.linear.gather [hbm4b:s5+s4], $0x80, $0x38;
	[tilespmem:$0x1BA00] =	vst v63  }
0x7f: {  	_ =	swait.ge [sflag:s28], $0x80  }
0x80: {  	[sflag:s28] =	ssyncset.done $0x0  }
0x81: {  	s5 =	sadd.s32 s3, s23;
	[sflag:s28] =	ssyncadd.s32 $0xFFFFFF80  }
0x82: {  	[tilespmem:s29], [sflag:$0x2] =	stream.linear.gather [hbm4b:s5+s4], $0x80, $0x38;
	[tilespmem:$0x1BA00] =	vst v63  }
0x83: {  	_ =	swait.ge [sflag:s28], $0x80  }
0x84: {  	[sflag:s28] =	ssyncset.done $0x0  }
0x85: {  	[sflag:s28] =	ssyncadd.s32 $0xFFFFFF80  }
0x86: {  	[tilespmem:s30], [sflag:$0x1] =	stream.indirect.gather [hbm4b:s1+s29], $0x20, s4, s29, $0xb8;
	[tilespmem:$0x1BA00] =	vst v63  }
0x87: {  	_ =	swait.ge [sflag:s31], $0x1000  }
0x88: {  	[sflag:s31] =	ssyncset.done $0x0  }
0x89: {  	[sflag:s31] =	ssyncadd.s32 $0xFFFFF000  }
0x8a: {  	[spmem:s2] =	stream.indirect.scatter.add.f32 [tilespmem:s30], [sflag:$0x2], $0x20, s29, s29, $0xb8;
	[tilespmem:$0x1BA00] =	vst v63  }
0x8b: {  	_ =	swait.ge [sflag:s28], $0x1000  }
0x8c: {  	[sflag:s28] =	ssyncset.done $0x0  }
0x8d: {  	s7 =	stileid.u32;
	[sflag:s28] =	ssyncadd.s32 $0xFFFFF000  }
0x8e: {  	s3 =	sshll.u32 s7, $0x6;
	[bflag:$0x0] =	sbarrier.arrive $0xFFFF  }
0x8f: {  	s3 =	sor.u32 $0x1C02, s3;
	s8 =	rddreg [dreg:$0x4]  }
0x90: {  	[hbm:s8], [sflag:s3] =	dma.local [spmem:s25], $0x3200  }
0x91: {  	_ =	swait.ge [sflag:s28], $0x3200  }
0x92: {  	s0 =	sadd.s32 $0x1, s0;
	s9 =	rddreg [dreg:$0x5]  }
0x93: {  	p0 =	sne.s32 s0, s9  }
.Ltmp2:
0x94: {  	_ = 	snop;
	(pc) =	sbr.rel @p0 .LBB2_1-.Ltmp2, $3  }
0x95: {  	_ =	sdelay $0x1  }
0x96: {  	[sflag:s28] =	ssyncset.done $0x0  }
0x97: {  	[sflag:s28] =	ssyncadd.s32 $0xFFFFCE00  }
0x98: {  	_ =	sfence.sel $0x180000  }
0x99: {  	[bflag:$0x0] =	sbarrier.arrive $0xFFFF  }
0x9a: {  	_ =	strace $0x9000004D  }
0x9b: {  	s0 =	stileid.u32;
	[bflag:$0x2] =	sbarrier.arrive $0xFFFF  }
0x9c: {  	p0 =	sne.s32 s0, $0x0;
	s0 =	rddreg [dreg:$0x3]  }
0x9d: {  	s0 =	sadd.s32 @!p0 $0x100000, s0  }
0x9e: {  	[sflag:s0] =	ssyncadd.tile.s32 @!p0 $0x1;
	_ =	shalt  }
.Lfunc_end2:
_tile_overlayer_lowered:
.L_overlay_start_2:
0x9f: {  	(tag) =	ssettag $0x2  }
0xa0: {  	s0 =	rddreg [dreg:$0x0];
	s2 =	stileid.u32  }
0xa1: {  	s1 =	rddreg [dreg:$0x1];
	p0 =	sne.s32 s2, $0x0  }
0xa2: {  	s3 =	rddreg [dreg:$0x2];
	[bflag:$0x3] =	sbarrier.arrive $0xFFFF;
	s2 =	simm.s32 @!p0 $0x1C02  }
0xa3: {  	[timem:s3], [sflag:s2] =	dma.local @!p0 [hbm:s0], s1  }
0xa4: {  	s0 =	simm.s32 @!p0 $0x2  }
0xa5: {  	_ =	swait.ge @!p0 [sflag:s0], s1  }
0xa6: {  	s1 =	ssub.s32 @!p0 $0x0, s1;
	[sflag:s0] =	ssyncset.done @!p0 $0x0  }
0xa7: {  	[sflag:s0] =	ssyncadd.s32 @!p0 s1  }
0xa8: {  	[bflag:$0x3] =	sbarrier.arrive $0xFFFF  }
0xa9: {  	_ =	shalt  }

// kernel: kernel.8.cloned.1.call-start
scs
__scs_entry_jumppad:
0x0: {  	(pc) =	sbr.rel $0x88, $3  }
0x1: {  	(tag) =	ssettag $0x0;
	lr =	simm.s32 $0x1  }
0x2: {  	[smem:$0x3F9B] =	sst lr;
	_ =	strace $0xD0000000  }
0x3: {  	_ = 	snop  }
0x4: {  	_ = 	snop  }
0x5: {  	_ = 	snop  }
0x6: {  	_ = 	snop  }
0x7: {  	_ = 	snop  }
__scs_overlays_trampoline_lowered:
0x8: {  	[smem:$0x3FAA] =	sst s0  }
0x9: {  	[smem:$0x3FAB] =	sst s1  }
0xa: {  	[smem:$0x3FAC] =	sst s2  }
0xb: {  	[smem:$0x3FAD] =	sst s3  }
0xc: {  	[smem:$0x3FAE] =	sst s4  }
0xd: {  	[smem:$0x3FAF] =	sst s5  }
0xe: {  	[smem:$0x3FB0] =	sst s6  }
0xf: {  	[smem:$0x3FB1] =	sst s7  }
0x10: {  	[smem:$0x3FB2] =	sst s8  }
0x11: {  	[smem:$0x3FB3] =	sst s9;
	s0 =	simm.s32 @!p0 $0x0  }
0x12: {  	s1 =	sld [smem:$0x3F99];
	s0 =	simm.s32 @p0 $0x1  }
0x13: {  	[smem:$0x3FB4] =	sst s0;
	s0 =	simm.s32 @!p1 $0x0  }
0x14: {  	s2 =	sld [smem:$0x3F98];
	s0 =	simm.s32 @p1 $0x1  }
0x15: {  	[smem:$0x3FB5] =	sst s0;
	s0 =	simm.s32 @!p2 $0x0  }
0x16: {  	s3 =	sld [smem:$0x3FDB];
	s0 =	simm.s32 @p2 $0x1  }
0x17: {  	s4 =	simm.s32 $0x1BF5;
	[smem:$0x3FB7] =	sst s0  }
0x18: {  	s0 =	sld [smem:$0x3F9A];
	_ =	swait.ge [sflag:s4], $0x0  }
0x19: {  	s7 =	sld [smem:$0x3F9B]  }
0x1a: {  	s8 =	sadd.s32 $0xFFFFE003, lr  }
0x1b: {  	s9 =	sadd.s32 $0xFFFFFEF7, lr;
	s5 =	simm.s32 $0xFFFFFFFF;
	p2 =	slt.u32 s8, $0xFFFFF086  }
0x1c: {  	p1 =	slt.u32 s9, $0xF7A;
	s5 =	simm.s32 @!p2 $0x0  }
0x1d: {  	s5 =	simm.s32 @p1 $0x1;
	p0 =	seq.s32 s7, s2  }
0x1e: {  	s7 =	smul.u32 @!p0 $0xF7A, s2;
	p2 =	seq.s32 @!p0 s5, $0x0  }
0x1f: {  	s9 =	smul.u32 $0xF7A, s1;
	s8 =	simm.s32 @!p0 $0x1BF5;
	p2 =	por !p2, p0  }
0x20: {  	[sflag:s8] =	ssyncset.s32 @!p0 $0xFFFFF086;
	s6 =	sadd.s32 @!p0 s3, s7;
	s7 =	simm.s32 @!p0 $0x108  }
0x21: {  	s3 =	sadd.s32 s3, s9;
	s6 =	sadd.s32 @!p0 $0x88, s6;
	s7 =	simm.s32 @p2 $0x1082  }
0x22: {  	[simem:s7], [sflag:s8] =	dma.local @!p0 [hbm:s6], $0xF7A  }
0x23: {  	s9 =	sor.u32 $0xD0000000, s2;
	s6 =	simm.s32 $0x108;
	_ =	swait.ge @!p0 [sflag:s8], $0x0  }
0x24: {  	s3 =	sadd.s32 $0x88, s3;
	s6 =	simm.s32 @!p1 $0x1082;
	[sflag:s4] =	ssyncset.s32 $0xFFFFF086  }
0x25: {  	[simem:s6], [sflag:s4] =	dma.local [hbm:s3], $0xF7A  }
0x26: {  	[smem:$0x3F9B] =	sst s1;
	(tag) =	ssettag s2;
	_ =	strace s9  }
0x27: {  	s1 =	sld [smem:$0x3FAB]  }
0x28: {  	s2 =	sld [smem:$0x3FAC]  }
0x29: {  	s4 =	sld [smem:$0x3FAE]  }
0x2a: {  	p0 =	seq.s32 s5, $0x0;
	s5 =	sld [smem:$0x3FAF]  }
0x2b: {  	s6 =	sld [smem:$0x3FB0]  }
0x2c: {  	s7 =	sld [smem:$0x3FB1]  }
0x2d: {  	s3 =	simm.s32 $0x108;
	s8 =	sld [smem:$0x3FB2]  }
0x2e: {  	s3 =	simm.s32 @!p0 $0x1082;
	s9 =	sld [smem:$0x3FB3]  }
0x2f: {  	lr =	sadd.s32 s0, s3;
	s0 =	sld [smem:$0x3FAA]  }
0x30: {  	s3 =	sld [smem:$0x3FAD]  }
0x31: {  	[smem:$0x3FB6] =	sst s10  }
0x32: {  	s10 =	sld [smem:$0x3FB4];
	_ =	sdelay $0x3  }
0x33: {  	p0 =	seq.s32 s10, $0x1;
	s10 =	sld [smem:$0x3FB6];
	_ =	sdelay $0x3  }
0x34: {  	[smem:$0x3FB6] =	sst s10  }
0x35: {  	s10 =	sld [smem:$0x3FB5];
	_ =	sdelay $0x3  }
0x36: {  	p1 =	seq.s32 s10, $0x1;
	s10 =	sld [smem:$0x3FB6];
	_ =	sdelay $0x3  }
0x37: {  	[smem:$0x3FB6] =	sst s10  }
0x38: {  	s10 =	sld [smem:$0x3FB7]  }
0x39: {  	_ = 	snop;
	(pc) =	sbr.ind lr, $3  }
0x3a: {  	_ = 	snop  }
0x3b: {  	_ = 	snop  }
0x3c: {  	p2 =	seq.s32 s10, $0x1;
	s10 =	sld [smem:$0x3FB6]  }
0x3d: {  	_ =	shalt  }
0x3e: {  	_ =	shalt  }
0x3f: {  	_ =	shalt  }
0x40: {  	_ =	shalt  }
0x41: {  	_ =	shalt  }
0x42: {  	_ =	shalt  }
0x43: {  	_ =	shalt  }
0x44: {  	_ =	shalt  }
0x45: {  	_ =	shalt  }
0x46: {  	_ =	shalt  }
0x47: {  	_ =	shalt  }
0x48: {  	_ =	shalt  }
0x49: {  	_ =	shalt  }
0x4a: {  	_ =	shalt  }
0x4b: {  	_ =	shalt  }
0x4c: {  	_ =	shalt  }
0x4d: {  	_ =	shalt  }
0x4e: {  	_ =	shalt  }
0x4f: {  	_ =	shalt  }
0x50: {  	_ =	shalt  }
0x51: {  	_ =	shalt  }
0x52: {  	_ =	shalt  }
0x53: {  	_ =	shalt  }
0x54: {  	_ =	shalt  }
0x55: {  	_ =	shalt  }
0x56: {  	_ =	shalt  }
0x57: {  	_ =	shalt  }
0x58: {  	_ =	shalt  }
0x59: {  	_ =	shalt  }
0x5a: {  	_ =	shalt  }
0x5b: {  	_ =	shalt  }
0x5c: {  	_ =	shalt  }
0x5d: {  	_ =	shalt  }
0x5e: {  	_ =	shalt  }
0x5f: {  	_ =	shalt  }
0x60: {  	_ =	shalt  }
0x61: {  	_ =	shalt  }
0x62: {  	_ =	shalt  }
0x63: {  	_ =	shalt  }
0x64: {  	_ =	shalt  }
0x65: {  	_ =	shalt  }
0x66: {  	_ =	shalt  }
0x67: {  	_ =	shalt  }
0x68: {  	_ =	shalt  }
0x69: {  	_ =	shalt  }
0x6a: {  	_ =	shalt  }
0x6b: {  	_ =	shalt  }
0x6c: {  	_ =	shalt  }
0x6d: {  	_ =	shalt  }
0x6e: {  	_ =	shalt  }
0x6f: {  	_ =	shalt  }
0x70: {  	_ =	shalt  }
0x71: {  	_ =	shalt  }
0x72: {  	_ =	shalt  }
0x73: {  	_ =	shalt  }
0x74: {  	_ =	shalt  }
0x75: {  	_ =	shalt  }
0x76: {  	_ =	shalt  }
0x77: {  	_ =	shalt  }
0x78: {  	_ =	shalt  }
0x79: {  	_ =	shalt  }
0x7a: {  	_ =	shalt  }
0x7b: {  	_ =	shalt  }
0x7c: {  	_ =	shalt  }
0x7d: {  	_ =	shalt  }
0x7e: {  	_ =	shalt  }
0x7f: {  	_ =	shalt  }
0x80: {  	_ =	shalt  }
0x81: {  	_ =	shalt  }
0x82: {  	_ =	shalt  }
0x83: {  	_ =	shalt  }
0x84: {  	_ =	shalt  }
0x85: {  	_ =	shalt  }
0x86: {  	_ =	shalt  }
0x87: {  	_ =	shalt  }
.Lfunc_end0:
.L_simem_size_0:
called_computation_lowered:
.L_overlay_start_0:
0x88: {  	s2 =	sld [smem:$0x3FD9]  }
0x89: {  	s3 =	sld [smem:$0x3FFE];
	_ =	sdelay $0x1  }
0x8a: {  	s1 =	srdreg.scid  }
0x8b: {  	s0 =	sand.u32 $0x1, s1  }
0x8c: {  	s17 =	sshll.u32 s0, $0xA;
	s2 =	sadd.s32 s3, s2  }
0x8d: {  	s2 =	sadd.s32 s2, s17  }
0x8e: {  	[smem:$0x3FC2] =	sst s2  }
0x8f: {  	_ = 	snop  }
0x90: {  	s2 =	sld [smem:$0x3FD0];
	(tm) =	ssettm $0x1  }
0x91: {  	s18 =	sld [smem:$0x3FFB];
	_ =	sdelay $0x3  }
0x92: {  	_ =	strace s18  }
0x93: {  	s3 =	sld [smem:$0x3FFC];
	_ =	sdelay $0x3  }
0x94: {  	_ =	strace s3  }
0x95: {  	s3 =	sld [smem:$0x3FFD];
	_ =	sdelay $0x3  }
0x96: {  	_ =	strace s3  }
0x97: {  	_ =	strace $0x8FFFFFFF  }
0x98: {  	s19 =	sld [smem:$0x3FDB];
	_ =	sdelay $0x1  }
0x99: {  	s4 =	simm.s32 $_scs_section_size  }
0x9a: {  	s5 =	simm.s32 $_size__tile_overlayer_lowered;
	s6 =	simm.s32 $_tile_overlayer_lowered  }
0x9b: {  	s22 =	simm.s32 $0x1BFF;
	s21 =	sshll.u32 s6, $0x1;
	s3 =	sadd.s32 s4, s19  }
0x9c: {  	s7 =	simm.s32 $0x0;
	s20 =	sshll.u32 s5, $0x1;
	s5 =	sadd.s32 s21, s3  }
0x9d: {  	[timem:s7], [sflag:s22] =	dma.local [hbm:s5], s20  }
0x9e: {  	_ =	swait.ge [sflag:s22], s20  }
0x9f: {  	s4 =	ssub.s32 $0x0, s20;
	[sflag:s22] =	ssyncset.done $0x0  }
0xa0: {  	[sflag:s22] =	ssyncadd.s32 s4;
	_ =	sdelay $0x1  }
0xa1: {  	s23 =	simm.s32 $0x1B8B  }
0xa2: {  	_ =	swait.ge [sflag:s23], $0x1  }
0xa3: {  	[sflag:s23] =	ssyncset.done $0x0  }
0xa4: {  	s25 =	simm.s32 $0x1B8E;
	s24 =	sld [smem:$0x3FFE];
	[sflag:s23] =	ssyncadd.s32 $0xFFFFFFFF  }
0xa5: {  	s26 =	simm.s32 $execute0_lowered;
	[smem:$0x3FD2] =	sst s25  }
0xa6: {  	s5 =	sshll.u32 s26, $0x1;
	_ =	strace $0x80000046;
	[dreg:$0x1] =	wrdreg $0xFFFFFFFF  }
0xa7: {  	s28 =	simm.s32 $_size_execute0_lowered;
	s3 =	sadd.s32 s3, s5;
	[dreg:$0x0] =	wrdreg $0x0  }
0xa8: {  	s5 =	sshll.u32 s28, $0x1;
	[dreg:$0x2] =	wrdreg s3  }
0xa9: {  	[dreg:$0x3] =	wrdreg s5  }
0xaa: {  	[dreg:$0x4] =	wrdreg $0xC0  }
0xab: {  	_ =	task [dreg:s7], $0x5FFFF  }
0xac: {  	[dreg:$0x1] =	wrdreg $0xFFFFFFFF  }
0xad: {  	[dreg:$0x0] =	wrdreg $0x60  }
0xae: {  	[dreg:$0x2] =	wrdreg s2  }
0xaf: {  	[dreg:$0x3] =	wrdreg s24  }
0xb0: {  	[dreg:$0x4] =	wrdreg $0x2A000  }
0xb1: {  	[dreg:$0x5] =	wrdreg $0x9  }
0xb2: {  	_ =	task.clear_ibuf [dreg:s7], $0x6FFFF;
	_ =	strace $0x90000046  }
0xb3: {  	s29 =	simm.s32 $0x9;
	_ =	strace $0x80000048  }
0xb4: {  	_ =	swait.ge [sflag:s29], $0x1  }
0xb5: {  	[sflag:s29] =	ssyncadd.s32 $0xFFFFFFFF  }
0xb6: {  	_ =	strace $0x90000048  }
0xb7: {  	_ =	sfence  }
0xb8: {  	s30 =	sld [smem:$0x0];
	_ =	sdelay $0x2  }
0xb9: {  	s31 =	sshll.u32 s1, $0xD;
	s1 =	sshrl.u32 s1, $0x2  }
0xba: {  	s3 =	sand.u32 $0x4000, s31;
	s1 =	sadd.s32 s1, s30  }
0xbb: {  	s0 =	sor.u32 s3, s0;
	s1 =	sshll.u32 s1, $0x11  }
0xbc: {  	s0 =	sor.u32 s1, s0  }
0xbd: {  	s0 =	sadd.s32 $0x8F2B, s0  }
0xbe: {  	[sflag:s0] =	ssyncadd.remote.s32 $0x1  }
0xbf: {  	_ =	sfence.sel $0xFFFF  }
0xc0: {  	[dreg:$0x0] =	wrdreg $0xFFFFFFFF;
	(pc) =	sbr.abs _section_cstart, $3  }
0xc1: {  	[dreg:$0x1] =	wrdreg $0xFFFFFFFF  }
0xc2: {  	_ =	task.clear_ibuf [dreg:s7], $0x2FFFF;
	_ =	strace $0x9FFFFFFF  }
0xc3: {  	(tm) =	ssettm $0x7FFFFFFF  }
tec
execute0_lowered:
.L_overlay_start_1:
0x0: {  	(tag) =	ssettag $0x1  }
0x1: {  	s1 =	rddreg [dreg:$0x0]  }
0x2: {  	s0 =	rddreg [dreg:$0x1]  }
0x3: {  	s2 =	rddreg [dreg:$0x2]  }
0x4: {  	s3 =	srdreg.scid;
	s9 =	stileid.u32  }
0x5: {  	s4 =	simm.s32 $0x0;
	s28 =	simm.s32 $0x2;
	s7 =	smul.u32 $0x19000, s9  }
0x6: {  	s29 =	simm.s32 $0x80;
	s30 =	simm.s32 $0x100;
	s6 =	smul.u32 $0x1870, s9  }
0x7: {  	s31 =	simm.s32 $0x1;
	s3 =	sand.u32 $0x1, s3;
	s9 =	smul.u32 $0x64000, s9  }
0x8: {  	[smem:$0x7FF] =	sst s4;
	s23 =	sadd.s32 $0xF7200, s0;
	s5 =	smul.u32 $0x190000, s3  }
0x9: {  	_ =	strace $0x80000047;
	s8 =	ssub.s32 $0x2, s3;
	p0 =	seq.s32 s3, $0x1  }
0xa: {  	s24 =	sadd.s32 s6, s0;
	s25 =	sshrl.u32 s8, $0x1;
	s1 =	smov.u32 @p0 s23  }
0xb: {  	s5 =	sadd.s32 s7, s5;
	s26 =	ssub.s32 s8, s25;
	s8 =	sshrl.u32 s9, $0x2  }
0xc: {  	s9 =	sadd.s32 s7, s2;
	s23 =	sadd.s32 $0x2C00, s24;
	s24 =	sadd.s32 $0x1B400, s24  }
0xd: {  	s5 =	sshrl.u32 s5, $0x3;
	s6 =	sadd.s32 s8, s2;
	s22 =	smax.u32 s26, $0x1  }
0xe: {  	s0 =	sadd.s32 s5, s0;
	[dreg:$0x5] =	wrdreg s22;
	s25 =	sadd.s32 $0x1900, s6  }
0xf: {  	s26 =	sadd.s32 $0x3200, s6;
	s10 =	sadd.s32 $0x4B00, s6;
	s11 =	sadd.s32 $0x6400, s6  }
0x10: {  	s12 =	sadd.s32 $0x7D00, s6;
	s13 =	sadd.s32 $0x9600, s6;
	s14 =	sadd.s32 $0xAF00, s6  }
0x11: {  	s15 =	sadd.s32 $0xC800, s6;
	s16 =	sadd.s32 $0xE100, s6;
	s17 =	sadd.s32 $0xFA00, s6  }
0x12: {  	s18 =	sadd.s32 $0x11300, s6;
	s19 =	sadd.s32 $0x12C00, s6;
	s20 =	sadd.s32 $0x14500, s6  }
0x13: {  	s21 =	sadd.s32 $0x15E00, s6;
	s22 =	sadd.s32 $0x17700, s6;
	[dreg:$0x6] =	wrdreg s25  }
0x14: {  	s0 =	sadd.s32 $0x1EB600, s0;
	[dreg:$0x7] =	wrdreg s26;
	s25 =	sshrl.u32 s9, $0x3  }
0x15: {  	v0 =	vimm.f32 $0.0e+00;
	s26 =	simm.s32 $0x1100;
	[dreg:$0x4] =	wrdreg s0;
	s0 =	simm.s32 $0x0  }
.LBB2_1:
0x16: {  	s3 =	simm.s32 $0x80;
	s5 =	simm.s32 $0x0  }
.LBB2_2:
0x17: {  	p0 =	sne.s32 s3, $0x6380;
	[tilespmem:s5+$0x1100] =	vst v0;
	s7 =	smov.u32 s3;
	s3 =	sadd.s32 $0x80, s3  }
.Ltmp0:
0x18: {  	[tilespmem:s5+$0x1110] =	vst v0;
	(pc) =	sbr.rel @p0 .LBB2_2-.Ltmp0, $2  }
0x19: {  	_ =	sdelay $0x2  }
0x1a: {  	s5 =	sshra.s32 s7, $0x2  }
0x1b: {  	[tilespmem:s5+$0x1100] =	vst v0  }
0x1c: {  	[tilespmem:s5+$0x1110] =	vst v0  }
0x1d: {  	[spmem:s6] =	stream.linear.scatter [tilespmem:s26], [sflag:$0x2], $0x1900, $0x38;
	[tilespmem:$0x1BA00] =	vst v63  }
0x1e: {  	_ =	swait.ge [sflag:s28], $0x1900  }
0x1f: {  	[sflag:s28] =	ssyncset.done $0x0  }
0x20: {  	s3 =	rddreg [dreg:$0x6];
	[sflag:s28] =	ssyncadd.s32 $0xFFFFE700  }
0x21: {  	[spmem:s3] =	stream.linear.scatter [tilespmem:s26], [sflag:$0x2], $0x1900, $0x38;
	[tilespmem:$0x1BA00] =	vst v63  }
0x22: {  	_ =	swait.ge [sflag:s28], $0x1900  }
0x23: {  	[sflag:s28] =	ssyncset.done $0x0  }
0x24: {  	s7 =	rddreg [dreg:$0x7];
	[sflag:s28] =	ssyncadd.s32 $0xFFFFE700  }
0x25: {  	[spmem:s7] =	stream.linear.scatter [tilespmem:s26], [sflag:$0x2], $0x1900, $0x38;
	[tilespmem:$0x1BA00] =	vst v63  }
0x26: {  	_ =	swait.ge [sflag:s28], $0x1900  }
0x27: {  	[sflag:s28] =	ssyncset.done $0x0  }
0x28: {  	[sflag:s28] =	ssyncadd.s32 $0xFFFFE700  }
0x29: {  	[spmem:s10] =	stream.linear.scatter [tilespmem:s26], [sflag:$0x2], $0x1900, $0x38;
	[tilespmem:$0x1BA00] =	vst v63  }
0x2a: {  	_ =	swait.ge [sflag:s28], $0x1900  }
0x2b: {  	[sflag:s28] =	ssyncset.done $0x0  }
0x2c: {  	[sflag:s28] =	ssyncadd.s32 $0xFFFFE700  }
0x2d: {  	[spmem:s11] =	stream.linear.scatter [tilespmem:s26], [sflag:$0x2], $0x1900, $0x38;
	[tilespmem:$0x1BA00] =	vst v63  }
0x2e: {  	_ =	swait.ge [sflag:s28], $0x1900  }
0x2f: {  	[sflag:s28] =	ssyncset.done $0x0  }
0x30: {  	[sflag:s28] =	ssyncadd.s32 $0xFFFFE700  }
0x31: {  	[spmem:s12] =	stream.linear.scatter [tilespmem:s26], [sflag:$0x2], $0x1900, $0x38;
	[tilespmem:$0x1BA00] =	vst v63  }
0x32: {  	_ =	swait.ge [sflag:s28], $0x1900  }
0x33: {  	[sflag:s28] =	ssyncset.done $0x0  }
0x34: {  	[sflag:s28] =	ssyncadd.s32 $0xFFFFE700  }
0x35: {  	[spmem:s13] =	stream.linear.scatter [tilespmem:s26], [sflag:$0x2], $0x1900, $0x38;
	[tilespmem:$0x1BA00] =	vst v63  }
0x36: {  	_ =	swait.ge [sflag:s28], $0x1900  }
0x37: {  	[sflag:s28] =	ssyncset.done $0x0  }
0x38: {  	[sflag:s28] =	ssyncadd.s32 $0xFFFFE700  }
0x39: {  	[spmem:s14] =	stream.linear.scatter [tilespmem:s26], [sflag:$0x2], $0x1900, $0x38;
	[tilespmem:$0x1BA00] =	vst v63  }
0x3a: {  	_ =	swait.ge [sflag:s28], $0x1900  }
0x3b: {  	[sflag:s28] =	ssyncset.done $0x0  }
0x3c: {  	[sflag:s28] =	ssyncadd.s32 $0xFFFFE700  }
0x3d: {  	[spmem:s15] =	stream.linear.scatter [tilespmem:s26], [sflag:$0x2], $0x1900, $0x38;
	[tilespmem:$0x1BA00] =	vst v63  }
0x3e: {  	_ =	swait.ge [sflag:s28], $0x1900  }
0x3f: {  	[sflag:s28] =	ssyncset.done $0x0  }
0x40: {  	[sflag:s28] =	ssyncadd.s32 $0xFFFFE700  }
0x41: {  	[spmem:s16] =	stream.linear.scatter [tilespmem:s26], [sflag:$0x2], $0x1900, $0x38;
	[tilespmem:$0x1BA00] =	vst v63  }
0x42: {  	_ =	swait.ge [sflag:s28], $0x1900  }
0x43: {  	[sflag:s28] =	ssyncset.done $0x0  }
0x44: {  	[sflag:s28] =	ssyncadd.s32 $0xFFFFE700  }
0x45: {  	[spmem:s17] =	stream.linear.scatter [tilespmem:s26], [sflag:$0x2], $0x1900, $0x38;
	[tilespmem:$0x1BA00] =	vst v63  }
0x46: {  	_ =	swait.ge [sflag:s28], $0x1900  }
0x47: {  	[sflag:s28] =	ssyncset.done $0x0  }
0x48: {  	[sflag:s28] =	ssyncadd.s32 $0xFFFFE700  }
0x49: {  	[spmem:s18] =	stream.linear.scatter [tilespmem:s26], [sflag:$0x2], $0x1900, $0x38;
	[tilespmem:$0x1BA00] =	vst v63  }
0x4a: {  	_ =	swait.ge [sflag:s28], $0x1900  }
0x4b: {  	[sflag:s28] =	ssyncset.done $0x0  }
0x4c: {  	[sflag:s28] =	ssyncadd.s32 $0xFFFFE700  }
0x4d: {  	[spmem:s19] =	stream.linear.scatter [tilespmem:s26], [sflag:$0x2], $0x1900, $0x38;
	[tilespmem:$0x1BA00] =	vst v63  }
0x4e: {  	_ =	swait.ge [sflag:s28], $0x1900  }
0x4f: {  	[sflag:s28] =	ssyncset.done $0x0  }
0x50: {  	[sflag:s28] =	ssyncadd.s32 $0xFFFFE700  }
0x51: {  	[spmem:s20] =	stream.linear.scatter [tilespmem:s26], [sflag:$0x2], $0x1900, $0x38;
	[tilespmem:$0x1BA00] =	vst v63  }
0x52: {  	_ =	swait.ge [sflag:s28], $0x1900  }
0x53: {  	[sflag:s28] =	ssyncset.done $0x0  }
0x54: {  	[sflag:s28] =	ssyncadd.s32 $0xFFFFE700  }
0x55: {  	[spmem:s21] =	stream.linear.scatter [tilespmem:s26], [sflag:$0x2], $0x1900, $0x38;
	[tilespmem:$0x1BA00] =	vst v63  }
0x56: {  	_ =	swait.ge [sflag:s28], $0x1900  }
0x57: {  	[sflag:s28] =	ssyncset.done $0x0  }
0x58: {  	[sflag:s28] =	ssyncadd.s32 $0xFFFFE700  }
0x59: {  	[spmem:s22] =	stream.linear.scatter [tilespmem:s26], [sflag:$0x2], $0x1900, $0x38;
	[tilespmem:$0x1BA00] =	vst v63  }
0x5a: {  	_ =	swait.ge [sflag:s28], $0x1900  }
0x5b: {  	[sflag:s28] =	ssyncset.done $0x0  }
0x5c: {  	[sflag:s28] =	ssyncadd.s32 $0xFFFFE700  }
0x5d: {  	s8 =	sadd.s32 $0x0, s24;
	[bflag:$0x0] =	sbarrier.arrive $0xFFFF  }
0x5e: {  	[tilespmem:s4], [sflag:$0x2] =	stream.linear.gather [hbm4b:s8+s4], $0x80, $0x38;
	[tilespmem:$0x1BA00] =	vst v63  }
0x5f: {  	_ =	swait.ge [sflag:s28], $0x80  }
0x60: {  	[sflag:s28] =	ssyncset.done $0x0  }
0x61: {  	s9 =	sadd.s32 $0x0, s23;
	[sflag:s28] =	ssyncadd.s32 $0xFFFFFF80  }
0x62: {  	[tilespmem:s29], [sflag:$0x2] =	stream.linear.gather [hbm4b:s9+s4], $0x80, $0x38;
	[tilespmem:$0x1BA00] =	vst v63  }
0x63: {  	_ =	swait.ge [sflag:s28], $0x80  }
0x64: {  	[sflag:s28] =	ssyncset.done $0x0  }
0x65: {  	[sflag:s28] =	ssyncadd.s32 $0xFFFFFF80  }
0x66: {  	[tilespmem:s30], [sflag:$0x1] =	stream.indirect.gather [hbm4b:s1+s29], $0x20, s4, s29, $0xb8;
	[tilespmem:$0x1BA00] =	vst v63  }
0x67: {  	_ =	swait.ge [sflag:s31], $0x1000  }
0x68: {  	[sflag:s31] =	ssyncset.done $0x0  }
0x69: {  	[sflag:s31] =	ssyncadd.s32 $0xFFFFF000  }
0x6a: {  	[spmem:s2] =	stream.indirect.scatter.add.f32 [tilespmem:s30], [sflag:$0x2], $0x20, s29, s29, $0xb8;
	[tilespmem:$0x1BA00] =	vst v63  }
0x6b: {  	_ =	swait.ge [sflag:s28], $0x1000  }
0x6c: {  	s5 =	simm.s32 $0x20;
	s3 =	simm.s32 $0x10;
	[sflag:s28] =	ssyncset.done $0x0  }
.LBB2_4:
0x6d: {  	s7 =	sadd.s32 s3, s24  }
0x6e: {  	[sflag:s28] =	ssyncadd.s32 $0xFFFFF000;
	s8 =	smov.u32 s5;
	s9 =	sadd.s32 $0x10, s5  }
0x6f: {  	[tilespmem:s4], [sflag:$0x2] =	stream.linear.gather [hbm4b:s7+s4], $0x80, $0x38;
	[tilespmem:$0x1BA00] =	vst v63  }
0x70: {  	p0 =	sne.s32 s5, $0x1860;
	_ =	swait.ge [sflag:s28], $0x80  }
0x71: {  	[sflag:s28] =	ssyncset.done $0x0  }
0x72: {  	s5 =	sadd.s32 s3, s23;
	s3 =	smov.u32 s8;
	[sflag:s28] =	ssyncadd.s32 $0xFFFFFF80  }
0x73: {  	[tilespmem:s29], [sflag:$0x2] =	stream.linear.gather [hbm4b:s5+s4], $0x80, $0x38;
	[tilespmem:$0x1BA00] =	vst v63  }
0x74: {  	_ =	swait.ge [sflag:s28], $0x80  }
0x75: {  	[sflag:s28] =	ssyncset.done $0x0  }
0x76: {  	[sflag:s28] =	ssyncadd.s32 $0xFFFFFF80  }
0x77: {  	[tilespmem:s30], [sflag:$0x1] =	stream.indirect.gather [hbm4b:s1+s29], $0x20, s4, s29, $0xb8;
	[tilespmem:$0x1BA00] =	vst v63  }
0x78: {  	_ =	swait.ge [sflag:s31], $0x1000  }
.Ltmp1:
0x79: {  	[sflag:s31] =	ssyncset.done $0x0;
	(pc) =	sbr.rel @p0 .LBB2_4-.Ltmp1, $4  }
0x7a: {  	[sflag:s31] =	ssyncadd.s32 $0xFFFFF000  }
0x7b: {  	[spmem:s2] =	stream.indirect.scatter.add.f32 [tilespmem:s30], [sflag:$0x2], $0x20, s29, s29, $0xb8;
	[tilespmem:$0x1BA00] =	vst v63  }
0x7c: {  	_ =	swait.ge [sflag:s28], $0x1000  }
0x7d: {  	s5 =	smov.u32 s9;
	[sflag:s28] =	ssyncset.done $0x0  }
0x7e: {  	s5 =	sadd.s32 s3, s24;
	[sflag:s28] =	ssyncadd.s32 $0xFFFFF000  }
0x7f: {  	[tilespmem:s4], [sflag:$0x2] =	stream.linear.gather [hbm4b:s5+s4], $0x80, $0x38;
	[tilespmem:$0x1BA00] =	vst v63  }
0x80: {  	_ =	swait.ge [sflag:s28], $0x80  }
0x81: {  	[sflag:s28] =	ssyncset.done $0x0  }
0x82: {  	s5 =	sadd.s32 s3, s23;
	[sflag:s28] =	ssyncadd.s32 $0xFFFFFF80  }
0x83: {  	[tilespmem:s29], [sflag:$0x2] =	stream.linear.gather [hbm4b:s5+s4], $0x80, $0x38;
	[tilespmem:$0x1BA00] =	vst v63  }
0x84: {  	_ =	swait.ge [sflag:s28], $0x80  }
0x85: {  	[sflag:s28] =	ssyncset.done $0x0  }
0x86: {  	[sflag:s28] =	ssyncadd.s32 $0xFFFFFF80  }
0x87: {  	[tilespmem:s30], [sflag:$0x1] =	stream.indirect.gather [hbm4b:s1+s29], $0x20, s4, s29, $0xb8;
	[tilespmem:$0x1BA00] =	vst v63  }
0x88: {  	_ =	swait.ge [sflag:s31], $0x1000  }
0x89: {  	[sflag:s31] =	ssyncset.done $0x0  }
0x8a: {  	[sflag:s31] =	ssyncadd.s32 $0xFFFFF000  }
0x8b: {  	[spmem:s2] =	stream.indirect.scatter.add.f32 [tilespmem:s30], [sflag:$0x2], $0x20, s29, s29, $0xb8;
	[tilespmem:$0x1BA00] =	vst v63  }
0x8c: {  	_ =	swait.ge [sflag:s28], $0x1000  }
0x8d: {  	[sflag:s28] =	ssyncset.done $0x0  }
0x8e: {  	s7 =	stileid.u32;
	[sflag:s28] =	ssyncadd.s32 $0xFFFFF000  }
0x8f: {  	s3 =	sshll.u32 s7, $0x6;
	[bflag:$0x0] =	sbarrier.arrive $0xFFFF  }
0x90: {  	s3 =	sor.u32 $0x1C02, s3;
	s8 =	rddreg [dreg:$0x4]  }
0x91: {  	[hbm:s8], [sflag:s3] =	dma.local [spmem:s25], $0x3200  }
0x92: {  	_ =	swait.ge [sflag:s28], $0x3200  }
0x93: {  	s0 =	sadd.s32 $0x1, s0;
	s9 =	rddreg [dreg:$0x5]  }
0x94: {  	p0 =	sne.s32 s0, s9  }
.Ltmp2:
0x95: {  	_ = 	snop;
	(pc) =	sbr.rel @p0 .LBB2_1-.Ltmp2, $3  }
0x96: {  	_ =	sdelay $0x1  }
0x97: {  	[sflag:s28] =	ssyncset.done $0x0  }
0x98: {  	[sflag:s28] =	ssyncadd.s32 $0xFFFFCE00  }
0x99: {  	_ =	sfence.sel $0x180000  }
0x9a: {  	[bflag:$0x0] =	sbarrier.arrive $0xFFFF  }
0x9b: {  	_ =	strace $0x90000047  }
0x9c: {  	s0 =	stileid.u32;
	[bflag:$0x2] =	sbarrier.arrive $0xFFFF  }
0x9d: {  	p0 =	sne.s32 s0, $0x0;
	s0 =	rddreg [dreg:$0x3]  }
0x9e: {  	s0 =	sadd.s32 @!p0 $0x100000, s0  }
0x9f: {  	[sflag:s0] =	ssyncadd.tile.s32 @!p0 $0x1;
	_ =	shalt  }
.Lfunc_end2:
_tile_overlayer_lowered:
.L_overlay_start_2:
0xa0: {  	(tag) =	ssettag $0x2  }
0xa1: {  	s0 =	rddreg [dreg:$0x0];
	s2 =	stileid.u32  }
0xa2: {  	s1 =	rddreg [dreg:$0x1];
	p0 =	sne.s32 s2, $0x0  }
0xa3: {  	s3 =	rddreg [dreg:$0x2];
	[bflag:$0x3] =	sbarrier.arrive $0xFFFF;
	s2 =	simm.s32 @!p0 $0x1C02  }
0xa4: {  	[timem:s3], [sflag:s2] =	dma.local @!p0 [hbm:s0], s1  }
0xa5: {  	s0 =	simm.s32 @!p0 $0x2  }
0xa6: {  	_ =	swait.ge @!p0 [sflag:s0], s1  }
0xa7: {  	s1 =	ssub.s32 @!p0 $0x0, s1;
	[sflag:s0] =	ssyncset.done @!p0 $0x0  }
0xa8: {  	[sflag:s0] =	ssyncadd.s32 @!p0 s1  }
0xa9: {  	[bflag:$0x3] =	sbarrier.arrive $0xFFFF  }
0xaa: {  	_ =	shalt  }

</sc_bundles>
